<compile_context>
chip_gen: v7x
topology: tpu7x:2x2x1
jax: 0.10.2.dev20260603
libtpu: 0.0.44.dev20260713+nightly
codegen_flags: <defaults>
</compile_context>

<pallas_src>
import functools

import jax
import jax.numpy as jnp
from jax import lax
from jax.experimental import pallas as pl
from jax.experimental.pallas import tpu as pltpu
from jax.experimental.pallas import tpu_sc as plsc

_C = 128
_NBUF = 6
_DIST = 3


@functools.lru_cache(maxsize=None)
def _build_sc_gather(n, v, d, dtype_name):
    dtype = jnp.dtype(dtype_name)
    info = plsc.get_sparse_core_info()
    nc, ns = info.num_cores, info.num_subcores
    nw = nc * ns
    full = n // _C
    tail = n % _C
    base = full // nw
    extra = full % nw
    assert base >= _NBUF and tail % 8 == 0 and extra < nw - 1
    assert base % _NBUF == 0

    len_lo = base * _C
    len_hi = (base + 1) * _C
    len_last = base * _C + tail

    mesh = plsc.VectorSubcoreMesh(core_axis_name="c", subcore_axis_name="s")

    scratch = [
        pltpu.VMEM((len_hi,), jnp.int32),
    ] + [
        pltpu.VMEM((_C, d), dtype)
        for _ in range(_NBUF)
    ] + [
        pltpu.VMEM((max(tail, 8), d), dtype),
        pltpu.SemaphoreType.DMA((_NBUF,)),
        pltpu.SemaphoreType.DMA((_NBUF,)),
        pltpu.SemaphoreType.DMA((_NBUF,)),
        pltpu.VMEM_SHARED((v, d), dtype),
    ]

    out_t = jax.ShapeDtypeStruct((n, d), dtype)

    @functools.partial(
        pl.kernel,
        mesh=mesh,
        out_type=(out_t, out_t),
        scratch_types=scratch,
    )
    def gather_kernel(idx_hbm, table_hbm, out0_hbm, out1_hbm, idx_all,
                      *rest):
        rows = rest[:_NBUF]
        rows_t, gsem, s0sem, s1sem, tab_sp = rest[_NBUF:]
        outs = (out0_hbm, out1_hbm)
        ssems = (s0sem, s1sem)
        sid = lax.axis_index("s")
        w = sid * nc + lax.axis_index("c")
        s = base * w + jnp.minimum(w, extra)
        idx_start = s * _C

        @pl.when(sid == 0)
        def _():
            pltpu.sync_copy(table_hbm, tab_sp)

        @pl.when(w < extra)
        def _():
            pltpu.sync_copy(idx_hbm.at[pl.ds(idx_start, len_hi)],
                            idx_all.at[pl.ds(0, len_hi)])

        @pl.when(jnp.logical_and(w >= extra, w < nw - 1))
        def _():
            pltpu.sync_copy(idx_hbm.at[pl.ds(idx_start, len_lo)],
                            idx_all.at[pl.ds(0, len_lo)])

        @pl.when(w == nw - 1)
        def _():
            pltpu.sync_copy(idx_hbm.at[pl.ds(idx_start, len_last)],
                            idx_all.at[pl.ds(0, len_last)])

        plsc.subcore_barrier()

        def gather_async(c, b):
            return pltpu.async_copy(
                tab_sp.at[idx_all.at[pl.ds(c * _C, _C)]], rows[b],
                gsem.at[b])

        def wait_gather(c, b):
            pltpu.make_async_copy(
                tab_sp.at[idx_all.at[pl.ds(c * _C, _C)]], rows[b],
                gsem.at[b]).wait()

        def wait_store(b):
            for o in range(2):
                pltpu.make_async_copy(rows[b], outs[o].at[pl.ds(0, _C), :],
                                      ssems[o].at[b]).wait()

        for c in range(_DIST):
            gather_async(c, c % _NBUF)

        nchunks = base + jnp.where(w < extra, 1, 0)

        def group(j, carry):
            for b in range(_NBUF):
                c = j * _NBUF + b
                wait_gather(c, b)
                for o in range(2):
                    pltpu.async_copy(rows[b],
                                     outs[o].at[pl.ds((s + c) * _C, _C), :],
                                     ssems[o].at[b])
                c2 = c + _DIST
                b2 = (b + _DIST) % _NBUF

                @pl.when(c2 < nchunks)
                def _(c2=c2, b2=b2):
                    @pl.when(c2 >= _NBUF)
                    def _():
                        wait_store(b2)
                    gather_async(c2, b2)
            return carry

        lax.fori_loop(0, base // _NBUF, group, 0)

        @pl.when(w < extra)
        def _():
            b = base % _NBUF
            wait_gather(base, b)
            for o in range(2):
                pltpu.sync_copy(rows[b],
                                outs[o].at[pl.ds((s + base) * _C, _C), :])
            for bb in range(_NBUF):
                if bb != base % _NBUF:
                    wait_store(bb)

        @pl.when(w >= extra)
        def _():
            for bb in range(_NBUF):
                wait_store(bb)

        if tail:
            @pl.when(w == nw - 1)
            def _():
                pltpu.async_copy(
                    tab_sp.at[idx_all.at[pl.ds(base * _C, tail)]],
                    rows_t.at[pl.ds(0, tail), :], gsem.at[0]).wait()
                for o in range(2):
                    pltpu.sync_copy(rows_t.at[pl.ds(0, tail), :],
                                    outs[o].at[pl.ds(full * _C, tail), :])

    return gather_kernel


def kernel(atom_types, pos, table):
    idx = jnp.reshape(atom_types, (-1,))
    tab = table.astype(pos.dtype)
    n = idx.shape[0]
    v, d = tab.shape
    out0, out1 = _build_sc_gather(n, v, d, str(tab.dtype))(idx, tab)
    return (out0, out1)

# --- scband reference (transcript-rebuilt; emitter-appended) ---
"""Pipeline reference for scband-atom-embedding-87213605913087 (READ-ONLY COPY).

The authoritative reference and input builder live on the scoring server;
editing this copy changes nothing except your own understanding.
"""

import jax, jax.numpy as jnp
import numpy as np

NUM_TYPES = 120
DIM = 128
N_NODES = 100000


def setup_inputs(seed: int = 0) -> dict:
    key = jax.random.key(seed)
    k1, k2, k3 = jax.random.split(key, 3)
    atom_types = jax.random.randint(k1, (N_NODES, 1), 0, NUM_TYPES, dtype=jnp.int64 if jax.config.jax_enable_x64 else jnp.int32).astype(jnp.int32)
    pos = jax.random.normal(k2, (N_NODES, 3), dtype=jnp.float32)
    # Embedding table initialized uniform(-sqrt(3), sqrt(3)) as in the torch module
    table = jax.random.uniform(k3, (NUM_TYPES, DIM), dtype=jnp.float32, minval=-np.sqrt(3), maxval=np.sqrt(3))
    return {"atom_types": atom_types, "pos": pos, "table": table}


def reference(atom_types, pos, table):
    # data[ATOM_TYPE_KEY].squeeze(-1)
    type_numbers = jnp.squeeze(atom_types, axis=-1)
    # embedding lookup, cast to positions dtype
    embedding = jnp.take(table, type_numbers, axis=0).astype(pos.dtype)
    # data[NODE_ATTRS_KEY] = embedding; data[NODE_FEATURES_KEY] = embedding (set_features=True)
    node_attrs = embedding
    node_features = embedding
    return (node_attrs, node_features)

if __name__ == "__main__":
    import jax
    _d = setup_inputs()
    print(jax.jit(kernel)(*tuple(_d.values())))

</pallas_src>

<mosaic_0001>
#map = affine_map<(d0, d1) -> (0)>
#map1 = affine_map<(d0, d1) -> (0, 0)>
module attributes {stable_mosaic.version = 14 : i64} {
  func.func @gather_kernel(%arg0: i32, %arg1: i32, %arg2: memref<100000xi32, #tpu.memory_space<hbm>>, %arg3: memref<120x128xf32, #tpu.memory_space<hbm>>, %arg4: memref<100000x128xf32, #tpu.memory_space<hbm>>, %arg5: memref<100000x128xf32, #tpu.memory_space<hbm>>, %arg6: memref<3200xi32, #tpu.memory_space<vmem>>, %arg7: memref<128x128xf32, #tpu.memory_space<vmem>>, %arg8: memref<128x128xf32, #tpu.memory_space<vmem>>, %arg9: memref<128x128xf32, #tpu.memory_space<vmem>>, %arg10: memref<128x128xf32, #tpu.memory_space<vmem>>, %arg11: memref<128x128xf32, #tpu.memory_space<vmem>>, %arg12: memref<128x128xf32, #tpu.memory_space<vmem>>, %arg13: memref<32x128xf32, #tpu.memory_space<vmem>>, %arg14: memref<6x!tpu.dma_semaphore, #tpu.memory_space<semaphore_mem>>, %arg15: memref<6x!tpu.dma_semaphore, #tpu.memory_space<semaphore_mem>>, %arg16: memref<6x!tpu.dma_semaphore, #tpu.memory_space<semaphore_mem>>, %arg17: memref<120x128xf32, #tpu.memory_space<vmem_shared>>) attributes {dimension_semantics = [#tpu.dimension_semantics<core_parallel>, #tpu.dimension_semantics<subcore_parallel>], iteration_bounds = array<i64: 2, 16>, scalar_prefetch = 0 : i64, scratch_operands = 12 : i64, tpu.core_type = #tpu.core_type<sc_vector_subcore>, window_params = [{transform_indices = #map}, {transform_indices = #map1}, {transform_indices = #map1}, {transform_indices = #map1}]} {
    %mul3A = arith.constant 2 : i32
    %mul3A_0 = arith.muli %arg1, %mul3A : i32
    %add3A = arith.addi %mul3A_0, %arg0 : i32
    %mul3A_1 = arith.constant 24 : i32
    %mul3A_2 = arith.muli %mul3A_1, %add3A : i32
    %min3A = arith.constant 13 : i32
    %min3A_3 = arith.minsi %add3A, %min3A : i32
    %add3A_4 = arith.addi %mul3A_2, %min3A_3 : i32
    %mul3A_5 = arith.constant 128 : i32
    %mul3A_6 = arith.muli %add3A_4, %mul3A_5 : i32
    %eq3A = arith.constant 0 : i32
    %eq3A_7 = arith.cmpi eq, %arg1, %eq3A : i32
    %convert_element_type3A = arith.extui %eq3A_7 : i1 to i32
    %cond3A = arith.constant 0 : i32
    %cond3A_8 = arith.cmpi ne, %convert_element_type3A, %cond3A : i32
    scf.if %cond3A_8 {
      "tpu.region"() ({
        %run_scoped3A = tpu.sem_alloc : memref<!tpu.dma_semaphore, #tpu.memory_space<semaphore_mem>>
        tpu.enqueue_dma source(%arg3 : memref<120x128xf32, #tpu.memory_space<hbm>>) target(%arg17 : memref<120x128xf32, #tpu.memory_space<vmem_shared>>) target_semaphore(%run_scoped3A : memref<!tpu.dma_semaphore, #tpu.memory_space<semaphore_mem>>)
        tpu.wait_dma2 semaphore(%run_scoped3A : memref<!tpu.dma_semaphore, #tpu.memory_space<semaphore_mem>>) src(%arg3 : memref<120x128xf32, #tpu.memory_space<hbm>>) dst(%arg17 : memref<120x128xf32, #tpu.memory_space<vmem_shared>>)
        tpu.yield
      }) : () -> ()
    } else {
    }
    %lt3A = arith.constant 13 : i32
    %lt3A_9 = arith.cmpi slt, %add3A, %lt3A : i32
    %convert_element_type3A_10 = arith.extui %lt3A_9 : i1 to i32
    %cond3A_11 = arith.constant 0 : i32
    %cond3A_12 = arith.cmpi ne, %convert_element_type3A_10, %cond3A_11 : i32
    scf.if %cond3A_12 {
      "tpu.region"() ({
        %run_scoped3A = tpu.sem_alloc : memref<!tpu.dma_semaphore, #tpu.memory_space<semaphore_mem>>
        %dma_start3A_72 = arith.constant 0 : i32
        %dma_start3A_73 = tpu.memref_slice %arg6[%dma_start3A_72] : memref<3200xi32, #tpu.memory_space<vmem>> -> memref<3200xi32, #tpu.memory_space<vmem>>
        %dma_start3A_74 = tpu.memref_slice %arg2[%mul3A_6] : memref<100000xi32, #tpu.memory_space<hbm>> -> memref<3200xi32, #tpu.memory_space<hbm>>
        %dma_start3A_75 = arith.constant 0 : i32
        %dma_start3A_76 = tpu.memref_slice %arg6[%dma_start3A_75] : memref<3200xi32, #tpu.memory_space<vmem>> -> memref<3200xi32, #tpu.memory_space<vmem>>
        %dma_start3A_77 = tpu.memref_slice %arg2[%mul3A_6] : memref<100000xi32, #tpu.memory_space<hbm>> -> memref<3200xi32, #tpu.memory_space<hbm>>
        tpu.enqueue_dma source(%dma_start3A_77 : memref<3200xi32, #tpu.memory_space<hbm>>) target(%dma_start3A_76 : memref<3200xi32, #tpu.memory_space<vmem>>) target_semaphore(%run_scoped3A : memref<!tpu.dma_semaphore, #tpu.memory_space<semaphore_mem>>)
        %dma_wait3A = arith.constant 0 : i32
        %dma_wait3A_78 = tpu.memref_slice %arg6[%dma_wait3A] : memref<3200xi32, #tpu.memory_space<vmem>> -> memref<3200xi32, #tpu.memory_space<vmem>>
        %dma_wait3A_79 = tpu.memref_slice %arg2[%mul3A_6] : memref<100000xi32, #tpu.memory_space<hbm>> -> memref<3200xi32, #tpu.memory_space<hbm>>
        %dma_wait3A_80 = arith.constant 0 : i32
        %dma_wait3A_81 = tpu.memref_slice %arg6[%dma_wait3A_80] : memref<3200xi32, #tpu.memory_space<vmem>> -> memref<3200xi32, #tpu.memory_space<vmem>>
        %dma_wait3A_82 = tpu.memref_slice %arg2[%mul3A_6] : memref<100000xi32, #tpu.memory_space<hbm>> -> memref<3200xi32, #tpu.memory_space<hbm>>
        tpu.wait_dma2 semaphore(%run_scoped3A : memref<!tpu.dma_semaphore, #tpu.memory_space<semaphore_mem>>) src(%dma_wait3A_82 : memref<3200xi32, #tpu.memory_space<hbm>>) dst(%dma_wait3A_81 : memref<3200xi32, #tpu.memory_space<vmem>>)
        tpu.yield
      }) : () -> ()
    } else {
    }
    %ge3A = arith.constant 13 : i32
    %ge3A_13 = arith.cmpi sge, %add3A, %ge3A : i32
    %lt3A_14 = arith.constant 31 : i32
    %lt3A_15 = arith.cmpi slt, %add3A, %lt3A_14 : i32
    %and3A = arith.andi %ge3A_13, %lt3A_15 : i1
    %convert_element_type3A_16 = arith.extui %and3A : i1 to i32
    %cond3A_17 = arith.constant 0 : i32
    %cond3A_18 = arith.cmpi ne, %convert_element_type3A_16, %cond3A_17 : i32
    scf.if %cond3A_18 {
      "tpu.region"() ({
        %run_scoped3A = tpu.sem_alloc : memref<!tpu.dma_semaphore, #tpu.memory_space<semaphore_mem>>
        %dma_start3A_72 = arith.constant 0 : i32
        %dma_start3A_73 = tpu.memref_slice %arg6[%dma_start3A_72] : memref<3200xi32, #tpu.memory_space<vmem>> -> memref<3072xi32, #tpu.memory_space<vmem>>
        %dma_start3A_74 = tpu.memref_slice %arg2[%mul3A_6] : memref<100000xi32, #tpu.memory_space<hbm>> -> memref<3072xi32, #tpu.memory_space<hbm>>
        %dma_start3A_75 = arith.constant 0 : i32
        %dma_start3A_76 = tpu.memref_slice %arg6[%dma_start3A_75] : memref<3200xi32, #tpu.memory_space<vmem>> -> memref<3072xi32, #tpu.memory_space<vmem>>
        %dma_start3A_77 = tpu.memref_slice %arg2[%mul3A_6] : memref<100000xi32, #tpu.memory_space<hbm>> -> memref<3072xi32, #tpu.memory_space<hbm>>
        tpu.enqueue_dma source(%dma_start3A_77 : memref<3072xi32, #tpu.memory_space<hbm>>) target(%dma_start3A_76 : memref<3072xi32, #tpu.memory_space<vmem>>) target_semaphore(%run_scoped3A : memref<!tpu.dma_semaphore, #tpu.memory_space<semaphore_mem>>)
        %dma_wait3A = arith.constant 0 : i32
        %dma_wait3A_78 = tpu.memref_slice %arg6[%dma_wait3A] : memref<3200xi32, #tpu.memory_space<vmem>> -> memref<3072xi32, #tpu.memory_space<vmem>>
        %dma_wait3A_79 = tpu.memref_slice %arg2[%mul3A_6] : memref<100000xi32, #tpu.memory_space<hbm>> -> memref<3072xi32, #tpu.memory_space<hbm>>
        %dma_wait3A_80 = arith.constant 0 : i32
        %dma_wait3A_81 = tpu.memref_slice %arg6[%dma_wait3A_80] : memref<3200xi32, #tpu.memory_space<vmem>> -> memref<3072xi32, #tpu.memory_space<vmem>>
        %dma_wait3A_82 = tpu.memref_slice %arg2[%mul3A_6] : memref<100000xi32, #tpu.memory_space<hbm>> -> memref<3072xi32, #tpu.memory_space<hbm>>
        tpu.wait_dma2 semaphore(%run_scoped3A : memref<!tpu.dma_semaphore, #tpu.memory_space<semaphore_mem>>) src(%dma_wait3A_82 : memref<3072xi32, #tpu.memory_space<hbm>>) dst(%dma_wait3A_81 : memref<3072xi32, #tpu.memory_space<vmem>>)
        tpu.yield
      }) : () -> ()
    } else {
    }
    %eq3A_19 = arith.constant 31 : i32
    %eq3A_20 = arith.cmpi eq, %add3A, %eq3A_19 : i32
    %convert_element_type3A_21 = arith.extui %eq3A_20 : i1 to i32
    %cond3A_22 = arith.constant 0 : i32
    %cond3A_23 = arith.cmpi ne, %convert_element_type3A_21, %cond3A_22 : i32
    scf.if %cond3A_23 {
      "tpu.region"() ({
        %run_scoped3A = tpu.sem_alloc : memref<!tpu.dma_semaphore, #tpu.memory_space<semaphore_mem>>
        %dma_start3A_72 = arith.constant 0 : i32
        %dma_start3A_73 = tpu.memref_slice %arg6[%dma_start3A_72] : memref<3200xi32, #tpu.memory_space<vmem>> -> memref<3104xi32, #tpu.memory_space<vmem>>
        %dma_start3A_74 = tpu.memref_slice %arg2[%mul3A_6] : memref<100000xi32, #tpu.memory_space<hbm>> -> memref<3104xi32, #tpu.memory_space<hbm>>
        %dma_start3A_75 = arith.constant 0 : i32
        %dma_start3A_76 = tpu.memref_slice %arg6[%dma_start3A_75] : memref<3200xi32, #tpu.memory_space<vmem>> -> memref<3104xi32, #tpu.memory_space<vmem>>
        %dma_start3A_77 = tpu.memref_slice %arg2[%mul3A_6] : memref<100000xi32, #tpu.memory_space<hbm>> -> memref<3104xi32, #tpu.memory_space<hbm>>
        tpu.enqueue_dma source(%dma_start3A_77 : memref<3104xi32, #tpu.memory_space<hbm>>) target(%dma_start3A_76 : memref<3104xi32, #tpu.memory_space<vmem>>) target_semaphore(%run_scoped3A : memref<!tpu.dma_semaphore, #tpu.memory_space<semaphore_mem>>)
        %dma_wait3A = arith.constant 0 : i32
        %dma_wait3A_78 = tpu.memref_slice %arg6[%dma_wait3A] : memref<3200xi32, #tpu.memory_space<vmem>> -> memref<3104xi32, #tpu.memory_space<vmem>>
        %dma_wait3A_79 = tpu.memref_slice %arg2[%mul3A_6] : memref<100000xi32, #tpu.memory_space<hbm>> -> memref<3104xi32, #tpu.memory_space<hbm>>
        %dma_wait3A_80 = arith.constant 0 : i32
        %dma_wait3A_81 = tpu.memref_slice %arg6[%dma_wait3A_80] : memref<3200xi32, #tpu.memory_space<vmem>> -> memref<3104xi32, #tpu.memory_space<vmem>>
        %dma_wait3A_82 = tpu.memref_slice %arg2[%mul3A_6] : memref<100000xi32, #tpu.memory_space<hbm>> -> memref<3104xi32, #tpu.memory_space<hbm>>
        tpu.wait_dma2 semaphore(%run_scoped3A : memref<!tpu.dma_semaphore, #tpu.memory_space<semaphore_mem>>) src(%dma_wait3A_82 : memref<3104xi32, #tpu.memory_space<hbm>>) dst(%dma_wait3A_81 : memref<3104xi32, #tpu.memory_space<vmem>>)
        tpu.yield
      }) : () -> ()
    } else {
    }
    %barrier3A = arith.constant 0 : index
    tpu.barrier barrier_id(%barrier3A)
    %dma_start3A = arith.constant 0 : i32
    %dma_start3A_24 = arith.constant 0 : i32
    %dma_start3A_25 = tpu.memref_slice %arg6[%dma_start3A_24] : memref<3200xi32, #tpu.memory_space<vmem>> -> memref<128xi32, #tpu.memory_space<vmem>>
    %dma_start3A_26 = arith.constant 0 : i32
    %dma_start3A_27 = arith.constant 0 : i32
    %dma_start3A_28 = tpu.memref_slice %arg17[%dma_start3A_26, %dma_start3A_27] : memref<120x128xf32, #tpu.memory_space<vmem_shared>> -> memref<120x128xf32, #tpu.memory_space<vmem_shared>>
    %dma_start3A_29 = tpu.memref_slice %arg14[%dma_start3A] : memref<6x!tpu.dma_semaphore, #tpu.memory_space<semaphore_mem>> -> memref<1x!tpu.dma_semaphore, #tpu.memory_space<semaphore_mem>>
    %dma_start3A_30 = tpu.memref_squeeze %dma_start3A_29 : memref<1x!tpu.dma_semaphore, #tpu.memory_space<semaphore_mem>> -> memref<!tpu.dma_semaphore, #tpu.memory_space<semaphore_mem>>
    tpu.enqueue_indirect_dma source(%dma_start3A_28 : memref<120x128xf32, #tpu.memory_space<vmem_shared>>) target(%arg7 : memref<128x128xf32, #tpu.memory_space<vmem>>) offsets(%dma_start3A_25 : memref<128xi32, #tpu.memory_space<vmem>>) semaphore(%dma_start3A_30 : memref<!tpu.dma_semaphore, #tpu.memory_space<semaphore_mem>>)
    %dma_start3A_31 = arith.constant 1 : i32
    %dma_start3A_32 = arith.constant 128 : i32
    %dma_start3A_33 = tpu.memref_slice %arg6[%dma_start3A_32] : memref<3200xi32, #tpu.memory_space<vmem>> -> memref<128xi32, #tpu.memory_space<vmem>>
    %dma_start3A_34 = arith.constant 0 : i32
    %dma_start3A_35 = arith.constant 0 : i32
    %dma_start3A_36 = tpu.memref_slice %arg17[%dma_start3A_34, %dma_start3A_35] : memref<120x128xf32, #tpu.memory_space<vmem_shared>> -> memref<120x128xf32, #tpu.memory_space<vmem_shared>>
    %dma_start3A_37 = tpu.memref_slice %arg14[%dma_start3A_31] : memref<6x!tpu.dma_semaphore, #tpu.memory_space<semaphore_mem>> -> memref<1x!tpu.dma_semaphore, #tpu.memory_space<semaphore_mem>>
    %dma_start3A_38 = tpu.memref_squeeze %dma_start3A_37 : memref<1x!tpu.dma_semaphore, #tpu.memory_space<semaphore_mem>> -> memref<!tpu.dma_semaphore, #tpu.memory_space<semaphore_mem>>
    tpu.enqueue_indirect_dma source(%dma_start3A_36 : memref<120x128xf32, #tpu.memory_space<vmem_shared>>) target(%arg8 : memref<128x128xf32, #tpu.memory_space<vmem>>) offsets(%dma_start3A_33 : memref<128xi32, #tpu.memory_space<vmem>>) semaphore(%dma_start3A_38 : memref<!tpu.dma_semaphore, #tpu.memory_space<semaphore_mem>>)
    %dma_start3A_39 = arith.constant 2 : i32
    %dma_start3A_40 = arith.constant 256 : i32
    %dma_start3A_41 = tpu.memref_slice %arg6[%dma_start3A_40] : memref<3200xi32, #tpu.memory_space<vmem>> -> memref<128xi32, #tpu.memory_space<vmem>>
    %dma_start3A_42 = arith.constant 0 : i32
    %dma_start3A_43 = arith.constant 0 : i32
    %dma_start3A_44 = tpu.memref_slice %arg17[%dma_start3A_42, %dma_start3A_43] : memref<120x128xf32, #tpu.memory_space<vmem_shared>> -> memref<120x128xf32, #tpu.memory_space<vmem_shared>>
    %dma_start3A_45 = tpu.memref_slice %arg14[%dma_start3A_39] : memref<6x!tpu.dma_semaphore, #tpu.memory_space<semaphore_mem>> -> memref<1x!tpu.dma_semaphore, #tpu.memory_space<semaphore_mem>>
    %dma_start3A_46 = tpu.memref_squeeze %dma_start3A_45 : memref<1x!tpu.dma_semaphore, #tpu.memory_space<semaphore_mem>> -> memref<!tpu.dma_semaphore, #tpu.memory_space<semaphore_mem>>
    tpu.enqueue_indirect_dma source(%dma_start3A_44 : memref<120x128xf32, #tpu.memory_space<vmem_shared>>) target(%arg9 : memref<128x128xf32, #tpu.memory_space<vmem>>) offsets(%dma_start3A_41 : memref<128xi32, #tpu.memory_space<vmem>>) semaphore(%dma_start3A_46 : memref<!tpu.dma_semaphore, #tpu.memory_space<semaphore_mem>>)
    %lt3A_47 = arith.constant 13 : i32
    %lt3A_48 = arith.cmpi slt, %add3A, %lt3A_47 : i32
    %jit3A = arith.constant 1 : i32
    %jit3A_49 = arith.constant 0 : i32
    %select_n3A = arith.select %lt3A_48, %jit3A, %jit3A_49 : i32
    %add3A_50 = arith.constant 24 : i32
    %add3A_51 = arith.addi %add3A_50, %select_n3A : i32
    %scan3A = arith.constant 0 : i32
    %scan3A_52 = arith.constant 0 : i32
    %scan3A_53 = arith.constant 4 : i32
    %scan3A_54 = arith.addi %scan3A_52, %scan3A_53 : i32
    %scan3A_55 = arith.constant 1 : i32
    scf.for %scan3A_72 = %scan3A_52 to %scan3A_54 step %scan3A_55  : i32 {
      %mul3A_73 = arith.constant 6 : i32
      %mul3A_74 = arith.muli %scan3A_72, %mul3A_73 : i32
      %add3A_75 = arith.constant 0 : i32
      %add3A_76 = arith.addi %mul3A_74, %add3A_75 : i32
      %mul3A_77 = arith.constant 128 : i32
      %mul3A_78 = arith.muli %add3A_76, %mul3A_77 : i32
      %dma_wait3A = arith.constant 0 : i32
      %dma_wait3A_79 = tpu.memref_slice %arg6[%mul3A_78] : memref<3200xi32, #tpu.memory_space<vmem>> -> memref<128xi32, #tpu.memory_space<vmem>>
      %dma_wait3A_80 = arith.constant 0 : i32
      %dma_wait3A_81 = arith.constant 0 : i32
      %dma_wait3A_82 = tpu.memref_slice %arg17[%dma_wait3A_80, %dma_wait3A_81] : memref<120x128xf32, #tpu.memory_space<vmem_shared>> -> memref<120x128xf32, #tpu.memory_space<vmem_shared>>
      %dma_wait3A_83 = tpu.memref_slice %arg14[%dma_wait3A] : memref<6x!tpu.dma_semaphore, #tpu.memory_space<semaphore_mem>> -> memref<1x!tpu.dma_semaphore, #tpu.memory_space<semaphore_mem>>
      %dma_wait3A_84 = tpu.memref_squeeze %dma_wait3A_83 : memref<1x!tpu.dma_semaphore, #tpu.memory_space<semaphore_mem>> -> memref<!tpu.dma_semaphore, #tpu.memory_space<semaphore_mem>>
      tpu.wait_indirect_dma semaphore(%dma_wait3A_84 : memref<!tpu.dma_semaphore, #tpu.memory_space<semaphore_mem>>) src(%dma_wait3A_82 : memref<120x128xf32, #tpu.memory_space<vmem_shared>>) dst(%arg7 : memref<128x128xf32, #tpu.memory_space<vmem>>)
      %add3A_85 = arith.addi %add3A_4, %add3A_76 : i32
      %mul3A_86 = arith.constant 128 : i32
      %mul3A_87 = arith.muli %add3A_85, %mul3A_86 : i32
      %dma_start3A_88 = arith.constant 0 : i32
      %dma_start3A_89 = arith.constant 0 : i32
      %dma_start3A_90 = tpu.memref_slice %arg4[%mul3A_87, %dma_start3A_89] : memref<100000x128xf32, #tpu.memory_space<hbm>> -> memref<128x128xf32, #tpu.memory_space<hbm>>
      %dma_start3A_91 = tpu.memref_slice %arg15[%dma_start3A_88] : memref<6x!tpu.dma_semaphore, #tpu.memory_space<semaphore_mem>> -> memref<1x!tpu.dma_semaphore, #tpu.memory_space<semaphore_mem>>
      %dma_start3A_92 = tpu.memref_squeeze %dma_start3A_91 : memref<1x!tpu.dma_semaphore, #tpu.memory_space<semaphore_mem>> -> memref<!tpu.dma_semaphore, #tpu.memory_space<semaphore_mem>>
      %dma_start3A_93 = arith.constant 0 : i32
      %dma_start3A_94 = tpu.memref_slice %arg4[%mul3A_87, %dma_start3A_93] : memref<100000x128xf32, #tpu.memory_space<hbm>> -> memref<128x128xf32, #tpu.memory_space<hbm>>
      tpu.enqueue_dma source(%arg7 : memref<128x128xf32, #tpu.memory_space<vmem>>) target(%dma_start3A_94 : memref<128x128xf32, #tpu.memory_space<hbm>>) target_semaphore(%dma_start3A_92 : memref<!tpu.dma_semaphore, #tpu.memory_space<semaphore_mem>>)
      %add3A_95 = arith.addi %add3A_4, %add3A_76 : i32
      %mul3A_96 = arith.constant 128 : i32
      %mul3A_97 = arith.muli %add3A_95, %mul3A_96 : i32
      %dma_start3A_98 = arith.constant 0 : i32
      %dma_start3A_99 = arith.constant 0 : i32
      %dma_start3A_100 = tpu.memref_slice %arg5[%mul3A_97, %dma_start3A_99] : memref<100000x128xf32, #tpu.memory_space<hbm>> -> memref<128x128xf32, #tpu.memory_space<hbm>>
      %dma_start3A_101 = tpu.memref_slice %arg16[%dma_start3A_98] : memref<6x!tpu.dma_semaphore, #tpu.memory_space<semaphore_mem>> -> memref<1x!tpu.dma_semaphore, #tpu.memory_space<semaphore_mem>>
      %dma_start3A_102 = tpu.memref_squeeze %dma_start3A_101 : memref<1x!tpu.dma_semaphore, #tpu.memory_space<semaphore_mem>> -> memref<!tpu.dma_semaphore, #tpu.memory_space<semaphore_mem>>
      %dma_start3A_103 = arith.constant 0 : i32
      %dma_start3A_104 = tpu.memref_slice %arg5[%mul3A_97, %dma_start3A_103] : memref<100000x128xf32, #tpu.memory_space<hbm>> -> memref<128x128xf32, #tpu.memory_space<hbm>>
      tpu.enqueue_dma source(%arg7 : memref<128x128xf32, #tpu.memory_space<vmem>>) target(%dma_start3A_104 : memref<128x128xf32, #tpu.memory_space<hbm>>) target_semaphore(%dma_start3A_102 : memref<!tpu.dma_semaphore, #tpu.memory_space<semaphore_mem>>)
      %add3A_105 = arith.constant 3 : i32
      %add3A_106 = arith.addi %add3A_76, %add3A_105 : i32
      %lt3A_107 = arith.cmpi slt, %add3A_106, %add3A_51 : i32
      %convert_element_type3A_108 = arith.extui %lt3A_107 : i1 to i32
      %cond3A_109 = arith.constant 0 : i32
      %cond3A_110 = arith.cmpi ne, %convert_element_type3A_108, %cond3A_109 : i32
      scf.if %cond3A_110 {
        %ge3A_306 = arith.constant 6 : i32
        %ge3A_307 = arith.cmpi sge, %add3A_106, %ge3A_306 : i32
        %convert_element_type3A_308 = arith.extui %ge3A_307 : i1 to i32
        %cond3A_309 = arith.constant 0 : i32
        %cond3A_310 = arith.cmpi ne, %convert_element_type3A_308, %cond3A_309 : i32
        scf.if %cond3A_310 {
          %dma_wait3A_320 = arith.constant 3 : i32
          %dma_wait3A_321 = arith.constant 0 : i32
          %dma_wait3A_322 = arith.constant 0 : i32
          %dma_wait3A_323 = tpu.memref_slice %arg4[%dma_wait3A_321, %dma_wait3A_322] : memref<100000x128xf32, #tpu.memory_space<hbm>> -> memref<128x128xf32, #tpu.memory_space<hbm>>
          %dma_wait3A_324 = tpu.memref_slice %arg15[%dma_wait3A_320] : memref<6x!tpu.dma_semaphore, #tpu.memory_space<semaphore_mem>> -> memref<1x!tpu.dma_semaphore, #tpu.memory_space<semaphore_mem>>
          %dma_wait3A_325 = tpu.memref_squeeze %dma_wait3A_324 : memref<1x!tpu.dma_semaphore, #tpu.memory_space<semaphore_mem>> -> memref<!tpu.dma_semaphore, #tpu.memory_space<semaphore_mem>>
          %dma_wait3A_326 = arith.constant 0 : i32
          %dma_wait3A_327 = arith.constant 0 : i32
          %dma_wait3A_328 = tpu.memref_slice %arg4[%dma_wait3A_326, %dma_wait3A_327] : memref<100000x128xf32, #tpu.memory_space<hbm>> -> memref<128x128xf32, #tpu.memory_space<hbm>>
          tpu.wait_dma2 semaphore(%dma_wait3A_325 : memref<!tpu.dma_semaphore, #tpu.memory_space<semaphore_mem>>) src(%arg10 : memref<128x128xf32, #tpu.memory_space<vmem>>) dst(%dma_wait3A_328 : memref<128x128xf32, #tpu.memory_space<hbm>>)
          %dma_wait3A_329 = arith.constant 3 : i32
          %dma_wait3A_330 = arith.constant 0 : i32
          %dma_wait3A_331 = arith.constant 0 : i32
          %dma_wait3A_332 = tpu.memref_slice %arg5[%dma_wait3A_330, %dma_wait3A_331] : memref<100000x128xf32, #tpu.memory_space<hbm>> -> memref<128x128xf32, #tpu.memory_space<hbm>>
          %dma_wait3A_333 = tpu.memref_slice %arg16[%dma_wait3A_329] : memref<6x!tpu.dma_semaphore, #tpu.memory_space<semaphore_mem>> -> memref<1x!tpu.dma_semaphore, #tpu.memory_space<semaphore_mem>>
          %dma_wait3A_334 = tpu.memref_squeeze %dma_wait3A_333 : memref<1x!tpu.dma_semaphore, #tpu.memory_space<semaphore_mem>> -> memref<!tpu.dma_semaphore, #tpu.memory_space<semaphore_mem>>
          %dma_wait3A_335 = arith.constant 0 : i32
          %dma_wait3A_336 = arith.constant 0 : i32
          %dma_wait3A_337 = tpu.memref_slice %arg5[%dma_wait3A_335, %dma_wait3A_336] : memref<100000x128xf32, #tpu.memory_space<hbm>> -> memref<128x128xf32, #tpu.memory_space<hbm>>
          tpu.wait_dma2 semaphore(%dma_wait3A_334 : memref<!tpu.dma_semaphore, #tpu.memory_space<semaphore_mem>>) src(%arg10 : memref<128x128xf32, #tpu.memory_space<vmem>>) dst(%dma_wait3A_337 : memref<128x128xf32, #tpu.memory_space<hbm>>)
        } else {
        }
        %mul3A_311 = arith.constant 128 : i32
        %mul3A_312 = arith.muli %add3A_106, %mul3A_311 : i32
        %dma_start3A_313 = arith.constant 3 : i32
        %dma_start3A_314 = tpu.memref_slice %arg6[%mul3A_312] : memref<3200xi32, #tpu.memory_space<vmem>> -> memref<128xi32, #tpu.memory_space<vmem>>
        %dma_start3A_315 = arith.constant 0 : i32
        %dma_start3A_316 = arith.constant 0 : i32
        %dma_start3A_317 = tpu.memref_slice %arg17[%dma_start3A_315, %dma_start3A_316] : memref<120x128xf32, #tpu.memory_space<vmem_shared>> -> memref<120x128xf32, #tpu.memory_space<vmem_shared>>
        %dma_start3A_318 = tpu.memref_slice %arg14[%dma_start3A_313] : memref<6x!tpu.dma_semaphore, #tpu.memory_space<semaphore_mem>> -> memref<1x!tpu.dma_semaphore, #tpu.memory_space<semaphore_mem>>
        %dma_start3A_319 = tpu.memref_squeeze %dma_start3A_318 : memref<1x!tpu.dma_semaphore, #tpu.memory_space<semaphore_mem>> -> memref<!tpu.dma_semaphore, #tpu.memory_space<semaphore_mem>>
        tpu.enqueue_indirect_dma source(%dma_start3A_317 : memref<120x128xf32, #tpu.memory_space<vmem_shared>>) target(%arg10 : memref<128x128xf32, #tpu.memory_space<vmem>>) offsets(%dma_start3A_314 : memref<128xi32, #tpu.memory_space<vmem>>) semaphore(%dma_start3A_319 : memref<!tpu.dma_semaphore, #tpu.memory_space<semaphore_mem>>)
      } else {
      }
      %mul3A_111 = arith.constant 6 : i32
      %mul3A_112 = arith.muli %scan3A_72, %mul3A_111 : i32
      %add3A_113 = arith.constant 1 : i32
      %add3A_114 = arith.addi %mul3A_112, %add3A_113 : i32
      %mul3A_115 = arith.constant 128 : i32
      %mul3A_116 = arith.muli %add3A_114, %mul3A_115 : i32
      %dma_wait3A_117 = arith.constant 1 : i32
      %dma_wait3A_118 = tpu.memref_slice %arg6[%mul3A_116] : memref<3200xi32, #tpu.memory_space<vmem>> -> memref<128xi32, #tpu.memory_space<vmem>>
      %dma_wait3A_119 = arith.constant 0 : i32
      %dma_wait3A_120 = arith.constant 0 : i32
      %dma_wait3A_121 = tpu.memref_slice %arg17[%dma_wait3A_119, %dma_wait3A_120] : memref<120x128xf32, #tpu.memory_space<vmem_shared>> -> memref<120x128xf32, #tpu.memory_space<vmem_shared>>
      %dma_wait3A_122 = tpu.memref_slice %arg14[%dma_wait3A_117] : memref<6x!tpu.dma_semaphore, #tpu.memory_space<semaphore_mem>> -> memref<1x!tpu.dma_semaphore, #tpu.memory_space<semaphore_mem>>
      %dma_wait3A_123 = tpu.memref_squeeze %dma_wait3A_122 : memref<1x!tpu.dma_semaphore, #tpu.memory_space<semaphore_mem>> -> memref<!tpu.dma_semaphore, #tpu.memory_space<semaphore_mem>>
      tpu.wait_indirect_dma semaphore(%dma_wait3A_123 : memref<!tpu.dma_semaphore, #tpu.memory_space<semaphore_mem>>) src(%dma_wait3A_121 : memref<120x128xf32, #tpu.memory_space<vmem_shared>>) dst(%arg8 : memref<128x128xf32, #tpu.memory_space<vmem>>)
      %add3A_124 = arith.addi %add3A_4, %add3A_114 : i32
      %mul3A_125 = arith.constant 128 : i32
      %mul3A_126 = arith.muli %add3A_124, %mul3A_125 : i32
      %dma_start3A_127 = arith.constant 1 : i32
      %dma_start3A_128 = arith.constant 0 : i32
      %dma_start3A_129 = tpu.memref_slice %arg4[%mul3A_126, %dma_start3A_128] : memref<100000x128xf32, #tpu.memory_space<hbm>> -> memref<128x128xf32, #tpu.memory_space<hbm>>
      %dma_start3A_130 = tpu.memref_slice %arg15[%dma_start3A_127] : memref<6x!tpu.dma_semaphore, #tpu.memory_space<semaphore_mem>> -> memref<1x!tpu.dma_semaphore, #tpu.memory_space<semaphore_mem>>
      %dma_start3A_131 = tpu.memref_squeeze %dma_start3A_130 : memref<1x!tpu.dma_semaphore, #tpu.memory_space<semaphore_mem>> -> memref<!tpu.dma_semaphore, #tpu.memory_space<semaphore_mem>>
      %dma_start3A_132 = arith.constant 0 : i32
      %dma_start3A_133 = tpu.memref_slice %arg4[%mul3A_126, %dma_start3A_132] : memref<100000x128xf32, #tpu.memory_space<hbm>> -> memref<128x128xf32, #tpu.memory_space<hbm>>
      tpu.enqueue_dma source(%arg8 : memref<128x128xf32, #tpu.memory_space<vmem>>) target(%dma_start3A_133 : memref<128x128xf32, #tpu.memory_space<hbm>>) target_semaphore(%dma_start3A_131 : memref<!tpu.dma_semaphore, #tpu.memory_space<semaphore_mem>>)
      %add3A_134 = arith.addi %add3A_4, %add3A_114 : i32
      %mul3A_135 = arith.constant 128 : i32
      %mul3A_136 = arith.muli %add3A_134, %mul3A_135 : i32
      %dma_start3A_137 = arith.constant 1 : i32
      %dma_start3A_138 = arith.constant 0 : i32
      %dma_start3A_139 = tpu.memref_slice %arg5[%mul3A_136, %dma_start3A_138] : memref<100000x128xf32, #tpu.memory_space<hbm>> -> memref<128x128xf32, #tpu.memory_space<hbm>>
      %dma_start3A_140 = tpu.memref_slice %arg16[%dma_start3A_137] : memref<6x!tpu.dma_semaphore, #tpu.memory_space<semaphore_mem>> -> memref<1x!tpu.dma_semaphore, #tpu.memory_space<semaphore_mem>>
      %dma_start3A_141 = tpu.memref_squeeze %dma_start3A_140 : memref<1x!tpu.dma_semaphore, #tpu.memory_space<semaphore_mem>> -> memref<!tpu.dma_semaphore, #tpu.memory_space<semaphore_mem>>
      %dma_start3A_142 = arith.constant 0 : i32
      %dma_start3A_143 = tpu.memref_slice %arg5[%mul3A_136, %dma_start3A_142] : memref<100000x128xf32, #tpu.memory_space<hbm>> -> memref<128x128xf32, #tpu.memory_space<hbm>>
      tpu.enqueue_dma source(%arg8 : memref<128x128xf32, #tpu.memory_space<vmem>>) target(%dma_start3A_143 : memref<128x128xf32, #tpu.memory_space<hbm>>) target_semaphore(%dma_start3A_141 : memref<!tpu.dma_semaphore, #tpu.memory_space<semaphore_mem>>)
      %add3A_144 = arith.constant 3 : i32
      %add3A_145 = arith.addi %add3A_114, %add3A_144 : i32
      %lt3A_146 = arith.cmpi slt, %add3A_145, %add3A_51 : i32
      %convert_element_type3A_147 = arith.extui %lt3A_146 : i1 to i32
      %cond3A_148 = arith.constant 0 : i32
      %cond3A_149 = arith.cmpi ne, %convert_element_type3A_147, %cond3A_148 : i32
      scf.if %cond3A_149 {
        %ge3A_306 = arith.constant 6 : i32
        %ge3A_307 = arith.cmpi sge, %add3A_145, %ge3A_306 : i32
        %convert_element_type3A_308 = arith.extui %ge3A_307 : i1 to i32
        %cond3A_309 = arith.constant 0 : i32
        %cond3A_310 = arith.cmpi ne, %convert_element_type3A_308, %cond3A_309 : i32
        scf.if %cond3A_310 {
          %dma_wait3A_320 = arith.constant 4 : i32
          %dma_wait3A_321 = arith.constant 0 : i32
          %dma_wait3A_322 = arith.constant 0 : i32
          %dma_wait3A_323 = tpu.memref_slice %arg4[%dma_wait3A_321, %dma_wait3A_322] : memref<100000x128xf32, #tpu.memory_space<hbm>> -> memref<128x128xf32, #tpu.memory_space<hbm>>
          %dma_wait3A_324 = tpu.memref_slice %arg15[%dma_wait3A_320] : memref<6x!tpu.dma_semaphore, #tpu.memory_space<semaphore_mem>> -> memref<1x!tpu.dma_semaphore, #tpu.memory_space<semaphore_mem>>
          %dma_wait3A_325 = tpu.memref_squeeze %dma_wait3A_324 : memref<1x!tpu.dma_semaphore, #tpu.memory_space<semaphore_mem>> -> memref<!tpu.dma_semaphore, #tpu.memory_space<semaphore_mem>>
          %dma_wait3A_326 = arith.constant 0 : i32
          %dma_wait3A_327 = arith.constant 0 : i32
          %dma_wait3A_328 = tpu.memref_slice %arg4[%dma_wait3A_326, %dma_wait3A_327] : memref<100000x128xf32, #tpu.memory_space<hbm>> -> memref<128x128xf32, #tpu.memory_space<hbm>>
          tpu.wait_dma2 semaphore(%dma_wait3A_325 : memref<!tpu.dma_semaphore, #tpu.memory_space<semaphore_mem>>) src(%arg11 : memref<128x128xf32, #tpu.memory_space<vmem>>) dst(%dma_wait3A_328 : memref<128x128xf32, #tpu.memory_space<hbm>>)
          %dma_wait3A_329 = arith.constant 4 : i32
          %dma_wait3A_330 = arith.constant 0 : i32
          %dma_wait3A_331 = arith.constant 0 : i32
          %dma_wait3A_332 = tpu.memref_slice %arg5[%dma_wait3A_330, %dma_wait3A_331] : memref<100000x128xf32, #tpu.memory_space<hbm>> -> memref<128x128xf32, #tpu.memory_space<hbm>>
          %dma_wait3A_333 = tpu.memref_slice %arg16[%dma_wait3A_329] : memref<6x!tpu.dma_semaphore, #tpu.memory_space<semaphore_mem>> -> memref<1x!tpu.dma_semaphore, #tpu.memory_space<semaphore_mem>>
          %dma_wait3A_334 = tpu.memref_squeeze %dma_wait3A_333 : memref<1x!tpu.dma_semaphore, #tpu.memory_space<semaphore_mem>> -> memref<!tpu.dma_semaphore, #tpu.memory_space<semaphore_mem>>
          %dma_wait3A_335 = arith.constant 0 : i32
          %dma_wait3A_336 = arith.constant 0 : i32
          %dma_wait3A_337 = tpu.memref_slice %arg5[%dma_wait3A_335, %dma_wait3A_336] : memref<100000x128xf32, #tpu.memory_space<hbm>> -> memref<128x128xf32, #tpu.memory_space<hbm>>
          tpu.wait_dma2 semaphore(%dma_wait3A_334 : memref<!tpu.dma_semaphore, #tpu.memory_space<semaphore_mem>>) src(%arg11 : memref<128x128xf32, #tpu.memory_space<vmem>>) dst(%dma_wait3A_337 : memref<128x128xf32, #tpu.memory_space<hbm>>)
        } else {
        }
        %mul3A_311 = arith.constant 128 : i32
        %mul3A_312 = arith.muli %add3A_145, %mul3A_311 : i32
        %dma_start3A_313 = arith.constant 4 : i32
        %dma_start3A_314 = tpu.memref_slice %arg6[%mul3A_312] : memref<3200xi32, #tpu.memory_space<vmem>> -> memref<128xi32, #tpu.memory_space<vmem>>
        %dma_start3A_315 = arith.constant 0 : i32
        %dma_start3A_316 = arith.constant 0 : i32
        %dma_start3A_317 = tpu.memref_slice %arg17[%dma_start3A_315, %dma_start3A_316] : memref<120x128xf32, #tpu.memory_space<vmem_shared>> -> memref<120x128xf32, #tpu.memory_space<vmem_shared>>
        %dma_start3A_318 = tpu.memref_slice %arg14[%dma_start3A_313] : memref<6x!tpu.dma_semaphore, #tpu.memory_space<semaphore_mem>> -> memref<1x!tpu.dma_semaphore, #tpu.memory_space<semaphore_mem>>
        %dma_start3A_319 = tpu.memref_squeeze %dma_start3A_318 : memref<1x!tpu.dma_semaphore, #tpu.memory_space<semaphore_mem>> -> memref<!tpu.dma_semaphore, #tpu.memory_space<semaphore_mem>>
        tpu.enqueue_indirect_dma source(%dma_start3A_317 : memref<120x128xf32, #tpu.memory_space<vmem_shared>>) target(%arg11 : memref<128x128xf32, #tpu.memory_space<vmem>>) offsets(%dma_start3A_314 : memref<128xi32, #tpu.memory_space<vmem>>) semaphore(%dma_start3A_319 : memref<!tpu.dma_semaphore, #tpu.memory_space<semaphore_mem>>)
      } else {
      }
      %mul3A_150 = arith.constant 6 : i32
      %mul3A_151 = arith.muli %scan3A_72, %mul3A_150 : i32
      %add3A_152 = arith.constant 2 : i32
      %add3A_153 = arith.addi %mul3A_151, %add3A_152 : i32
      %mul3A_154 = arith.constant 128 : i32
      %mul3A_155 = arith.muli %add3A_153, %mul3A_154 : i32
      %dma_wait3A_156 = arith.constant 2 : i32
      %dma_wait3A_157 = tpu.memref_slice %arg6[%mul3A_155] : memref<3200xi32, #tpu.memory_space<vmem>> -> memref<128xi32, #tpu.memory_space<vmem>>
      %dma_wait3A_158 = arith.constant 0 : i32
      %dma_wait3A_159 = arith.constant 0 : i32
      %dma_wait3A_160 = tpu.memref_slice %arg17[%dma_wait3A_158, %dma_wait3A_159] : memref<120x128xf32, #tpu.memory_space<vmem_shared>> -> memref<120x128xf32, #tpu.memory_space<vmem_shared>>
      %dma_wait3A_161 = tpu.memref_slice %arg14[%dma_wait3A_156] : memref<6x!tpu.dma_semaphore, #tpu.memory_space<semaphore_mem>> -> memref<1x!tpu.dma_semaphore, #tpu.memory_space<semaphore_mem>>
      %dma_wait3A_162 = tpu.memref_squeeze %dma_wait3A_161 : memref<1x!tpu.dma_semaphore, #tpu.memory_space<semaphore_mem>> -> memref<!tpu.dma_semaphore, #tpu.memory_space<semaphore_mem>>
      tpu.wait_indirect_dma semaphore(%dma_wait3A_162 : memref<!tpu.dma_semaphore, #tpu.memory_space<semaphore_mem>>) src(%dma_wait3A_160 : memref<120x128xf32, #tpu.memory_space<vmem_shared>>) dst(%arg9 : memref<128x128xf32, #tpu.memory_space<vmem>>)
      %add3A_163 = arith.addi %add3A_4, %add3A_153 : i32
      %mul3A_164 = arith.constant 128 : i32
      %mul3A_165 = arith.muli %add3A_163, %mul3A_164 : i32
      %dma_start3A_166 = arith.constant 2 : i32
      %dma_start3A_167 = arith.constant 0 : i32
      %dma_start3A_168 = tpu.memref_slice %arg4[%mul3A_165, %dma_start3A_167] : memref<100000x128xf32, #tpu.memory_space<hbm>> -> memref<128x128xf32, #tpu.memory_space<hbm>>
      %dma_start3A_169 = tpu.memref_slice %arg15[%dma_start3A_166] : memref<6x!tpu.dma_semaphore, #tpu.memory_space<semaphore_mem>> -> memref<1x!tpu.dma_semaphore, #tpu.memory_space<semaphore_mem>>
      %dma_start3A_170 = tpu.memref_squeeze %dma_start3A_169 : memref<1x!tpu.dma_semaphore, #tpu.memory_space<semaphore_mem>> -> memref<!tpu.dma_semaphore, #tpu.memory_space<semaphore_mem>>
      %dma_start3A_171 = arith.constant 0 : i32
      %dma_start3A_172 = tpu.memref_slice %arg4[%mul3A_165, %dma_start3A_171] : memref<100000x128xf32, #tpu.memory_space<hbm>> -> memref<128x128xf32, #tpu.memory_space<hbm>>
      tpu.enqueue_dma source(%arg9 : memref<128x128xf32, #tpu.memory_space<vmem>>) target(%dma_start3A_172 : memref<128x128xf32, #tpu.memory_space<hbm>>) target_semaphore(%dma_start3A_170 : memref<!tpu.dma_semaphore, #tpu.memory_space<semaphore_mem>>)
      %add3A_173 = arith.addi %add3A_4, %add3A_153 : i32
      %mul3A_174 = arith.constant 128 : i32
      %mul3A_175 = arith.muli %add3A_173, %mul3A_174 : i32
      %dma_start3A_176 = arith.constant 2 : i32
      %dma_start3A_177 = arith.constant 0 : i32
      %dma_start3A_178 = tpu.memref_slice %arg5[%mul3A_175, %dma_start3A_177] : memref<100000x128xf32, #tpu.memory_space<hbm>> -> memref<128x128xf32, #tpu.memory_space<hbm>>
      %dma_start3A_179 = tpu.memref_slice %arg16[%dma_start3A_176] : memref<6x!tpu.dma_semaphore, #tpu.memory_space<semaphore_mem>> -> memref<1x!tpu.dma_semaphore, #tpu.memory_space<semaphore_mem>>
      %dma_start3A_180 = tpu.memref_squeeze %dma_start3A_179 : memref<1x!tpu.dma_semaphore, #tpu.memory_space<semaphore_mem>> -> memref<!tpu.dma_semaphore, #tpu.memory_space<semaphore_mem>>
      %dma_start3A_181 = arith.constant 0 : i32
      %dma_start3A_182 = tpu.memref_slice %arg5[%mul3A_175, %dma_start3A_181] : memref<100000x128xf32, #tpu.memory_space<hbm>> -> memref<128x128xf32, #tpu.memory_space<hbm>>
      tpu.enqueue_dma source(%arg9 : memref<128x128xf32, #tpu.memory_space<vmem>>) target(%dma_start3A_182 : memref<128x128xf32, #tpu.memory_space<hbm>>) target_semaphore(%dma_start3A_180 : memref<!tpu.dma_semaphore, #tpu.memory_space<semaphore_mem>>)
      %add3A_183 = arith.constant 3 : i32
      %add3A_184 = arith.addi %add3A_153, %add3A_183 : i32
      %lt3A_185 = arith.cmpi slt, %add3A_184, %add3A_51 : i32
      %convert_element_type3A_186 = arith.extui %lt3A_185 : i1 to i32
      %cond3A_187 = arith.constant 0 : i32
      %cond3A_188 = arith.cmpi ne, %convert_element_type3A_186, %cond3A_187 : i32
      scf.if %cond3A_188 {
        %ge3A_306 = arith.constant 6 : i32
        %ge3A_307 = arith.cmpi sge, %add3A_184, %ge3A_306 : i32
        %convert_element_type3A_308 = arith.extui %ge3A_307 : i1 to i32
        %cond3A_309 = arith.constant 0 : i32
        %cond3A_310 = arith.cmpi ne, %convert_element_type3A_308, %cond3A_309 : i32
        scf.if %cond3A_310 {
          %dma_wait3A_320 = arith.constant 5 : i32
          %dma_wait3A_321 = arith.constant 0 : i32
          %dma_wait3A_322 = arith.constant 0 : i32
          %dma_wait3A_323 = tpu.memref_slice %arg4[%dma_wait3A_321, %dma_wait3A_322] : memref<100000x128xf32, #tpu.memory_space<hbm>> -> memref<128x128xf32, #tpu.memory_space<hbm>>
          %dma_wait3A_324 = tpu.memref_slice %arg15[%dma_wait3A_320] : memref<6x!tpu.dma_semaphore, #tpu.memory_space<semaphore_mem>> -> memref<1x!tpu.dma_semaphore, #tpu.memory_space<semaphore_mem>>
          %dma_wait3A_325 = tpu.memref_squeeze %dma_wait3A_324 : memref<1x!tpu.dma_semaphore, #tpu.memory_space<semaphore_mem>> -> memref<!tpu.dma_semaphore, #tpu.memory_space<semaphore_mem>>
          %dma_wait3A_326 = arith.constant 0 : i32
          %dma_wait3A_327 = arith.constant 0 : i32
          %dma_wait3A_328 = tpu.memref_slice %arg4[%dma_wait3A_326, %dma_wait3A_327] : memref<100000x128xf32, #tpu.memory_space<hbm>> -> memref<128x128xf32, #tpu.memory_space<hbm>>
          tpu.wait_dma2 semaphore(%dma_wait3A_325 : memref<!tpu.dma_semaphore, #tpu.memory_space<semaphore_mem>>) src(%arg12 : memref<128x128xf32, #tpu.memory_space<vmem>>) dst(%dma_wait3A_328 : memref<128x128xf32, #tpu.memory_space<hbm>>)
          %dma_wait3A_329 = arith.constant 5 : i32
          %dma_wait3A_330 = arith.constant 0 : i32
          %dma_wait3A_331 = arith.constant 0 : i32
          %dma_wait3A_332 = tpu.memref_slice %arg5[%dma_wait3A_330, %dma_wait3A_331] : memref<100000x128xf32, #tpu.memory_space<hbm>> -> memref<128x128xf32, #tpu.memory_space<hbm>>
          %dma_wait3A_333 = tpu.memref_slice %arg16[%dma_wait3A_329] : memref<6x!tpu.dma_semaphore, #tpu.memory_space<semaphore_mem>> -> memref<1x!tpu.dma_semaphore, #tpu.memory_space<semaphore_mem>>
          %dma_wait3A_334 = tpu.memref_squeeze %dma_wait3A_333 : memref<1x!tpu.dma_semaphore, #tpu.memory_space<semaphore_mem>> -> memref<!tpu.dma_semaphore, #tpu.memory_space<semaphore_mem>>
          %dma_wait3A_335 = arith.constant 0 : i32
          %dma_wait3A_336 = arith.constant 0 : i32
          %dma_wait3A_337 = tpu.memref_slice %arg5[%dma_wait3A_335, %dma_wait3A_336] : memref<100000x128xf32, #tpu.memory_space<hbm>> -> memref<128x128xf32, #tpu.memory_space<hbm>>
          tpu.wait_dma2 semaphore(%dma_wait3A_334 : memref<!tpu.dma_semaphore, #tpu.memory_space<semaphore_mem>>) src(%arg12 : memref<128x128xf32, #tpu.memory_space<vmem>>) dst(%dma_wait3A_337 : memref<128x128xf32, #tpu.memory_space<hbm>>)
        } else {
        }
        %mul3A_311 = arith.constant 128 : i32
        %mul3A_312 = arith.muli %add3A_184, %mul3A_311 : i32
        %dma_start3A_313 = arith.constant 5 : i32
        %dma_start3A_314 = tpu.memref_slice %arg6[%mul3A_312] : memref<3200xi32, #tpu.memory_space<vmem>> -> memref<128xi32, #tpu.memory_space<vmem>>
        %dma_start3A_315 = arith.constant 0 : i32
        %dma_start3A_316 = arith.constant 0 : i32
        %dma_start3A_317 = tpu.memref_slice %arg17[%dma_start3A_315, %dma_start3A_316] : memref<120x128xf32, #tpu.memory_space<vmem_shared>> -> memref<120x128xf32, #tpu.memory_space<vmem_shared>>
        %dma_start3A_318 = tpu.memref_slice %arg14[%dma_start3A_313] : memref<6x!tpu.dma_semaphore, #tpu.memory_space<semaphore_mem>> -> memref<1x!tpu.dma_semaphore, #tpu.memory_space<semaphore_mem>>
        %dma_start3A_319 = tpu.memref_squeeze %dma_start3A_318 : memref<1x!tpu.dma_semaphore, #tpu.memory_space<semaphore_mem>> -> memref<!tpu.dma_semaphore, #tpu.memory_space<semaphore_mem>>
        tpu.enqueue_indirect_dma source(%dma_start3A_317 : memref<120x128xf32, #tpu.memory_space<vmem_shared>>) target(%arg12 : memref<128x128xf32, #tpu.memory_space<vmem>>) offsets(%dma_start3A_314 : memref<128xi32, #tpu.memory_space<vmem>>) semaphore(%dma_start3A_319 : memref<!tpu.dma_semaphore, #tpu.memory_space<semaphore_mem>>)
      } else {
      }
      %mul3A_189 = arith.constant 6 : i32
      %mul3A_190 = arith.muli %scan3A_72, %mul3A_189 : i32
      %add3A_191 = arith.constant 3 : i32
      %add3A_192 = arith.addi %mul3A_190, %add3A_191 : i32
      %mul3A_193 = arith.constant 128 : i32
      %mul3A_194 = arith.muli %add3A_192, %mul3A_193 : i32
      %dma_wait3A_195 = arith.constant 3 : i32
      %dma_wait3A_196 = tpu.memref_slice %arg6[%mul3A_194] : memref<3200xi32, #tpu.memory_space<vmem>> -> memref<128xi32, #tpu.memory_space<vmem>>
      %dma_wait3A_197 = arith.constant 0 : i32
      %dma_wait3A_198 = arith.constant 0 : i32
      %dma_wait3A_199 = tpu.memref_slice %arg17[%dma_wait3A_197, %dma_wait3A_198] : memref<120x128xf32, #tpu.memory_space<vmem_shared>> -> memref<120x128xf32, #tpu.memory_space<vmem_shared>>
      %dma_wait3A_200 = tpu.memref_slice %arg14[%dma_wait3A_195] : memref<6x!tpu.dma_semaphore, #tpu.memory_space<semaphore_mem>> -> memref<1x!tpu.dma_semaphore, #tpu.memory_space<semaphore_mem>>
      %dma_wait3A_201 = tpu.memref_squeeze %dma_wait3A_200 : memref<1x!tpu.dma_semaphore, #tpu.memory_space<semaphore_mem>> -> memref<!tpu.dma_semaphore, #tpu.memory_space<semaphore_mem>>
      tpu.wait_indirect_dma semaphore(%dma_wait3A_201 : memref<!tpu.dma_semaphore, #tpu.memory_space<semaphore_mem>>) src(%dma_wait3A_199 : memref<120x128xf32, #tpu.memory_space<vmem_shared>>) dst(%arg10 : memref<128x128xf32, #tpu.memory_space<vmem>>)
      %add3A_202 = arith.addi %add3A_4, %add3A_192 : i32
      %mul3A_203 = arith.constant 128 : i32
      %mul3A_204 = arith.muli %add3A_202, %mul3A_203 : i32
      %dma_start3A_205 = arith.constant 3 : i32
      %dma_start3A_206 = arith.constant 0 : i32
      %dma_start3A_207 = tpu.memref_slice %arg4[%mul3A_204, %dma_start3A_206] : memref<100000x128xf32, #tpu.memory_space<hbm>> -> memref<128x128xf32, #tpu.memory_space<hbm>>
      %dma_start3A_208 = tpu.memref_slice %arg15[%dma_start3A_205] : memref<6x!tpu.dma_semaphore, #tpu.memory_space<semaphore_mem>> -> memref<1x!tpu.dma_semaphore, #tpu.memory_space<semaphore_mem>>
      %dma_start3A_209 = tpu.memref_squeeze %dma_start3A_208 : memref<1x!tpu.dma_semaphore, #tpu.memory_space<semaphore_mem>> -> memref<!tpu.dma_semaphore, #tpu.memory_space<semaphore_mem>>
      %dma_start3A_210 = arith.constant 0 : i32
      %dma_start3A_211 = tpu.memref_slice %arg4[%mul3A_204, %dma_start3A_210] : memref<100000x128xf32, #tpu.memory_space<hbm>> -> memref<128x128xf32, #tpu.memory_space<hbm>>
      tpu.enqueue_dma source(%arg10 : memref<128x128xf32, #tpu.memory_space<vmem>>) target(%dma_start3A_211 : memref<128x128xf32, #tpu.memory_space<hbm>>) target_semaphore(%dma_start3A_209 : memref<!tpu.dma_semaphore, #tpu.memory_space<semaphore_mem>>)
      %add3A_212 = arith.addi %add3A_4, %add3A_192 : i32
      %mul3A_213 = arith.constant 128 : i32
      %mul3A_214 = arith.muli %add3A_212, %mul3A_213 : i32
      %dma_start3A_215 = arith.constant 3 : i32
      %dma_start3A_216 = arith.constant 0 : i32
      %dma_start3A_217 = tpu.memref_slice %arg5[%mul3A_214, %dma_start3A_216] : memref<100000x128xf32, #tpu.memory_space<hbm>> -> memref<128x128xf32, #tpu.memory_space<hbm>>
      %dma_start3A_218 = tpu.memref_slice %arg16[%dma_start3A_215] : memref<6x!tpu.dma_semaphore, #tpu.memory_space<semaphore_mem>> -> memref<1x!tpu.dma_semaphore, #tpu.memory_space<semaphore_mem>>
      %dma_start3A_219 = tpu.memref_squeeze %dma_start3A_218 : memref<1x!tpu.dma_semaphore, #tpu.memory_space<semaphore_mem>> -> memref<!tpu.dma_semaphore, #tpu.memory_space<semaphore_mem>>
      %dma_start3A_220 = arith.constant 0 : i32
      %dma_start3A_221 = tpu.memref_slice %arg5[%mul3A_214, %dma_start3A_220] : memref<100000x128xf32, #tpu.memory_space<hbm>> -> memref<128x128xf32, #tpu.memory_space<hbm>>
      tpu.enqueue_dma source(%arg10 : memref<128x128xf32, #tpu.memory_space<vmem>>) target(%dma_start3A_221 : memref<128x128xf32, #tpu.memory_space<hbm>>) target_semaphore(%dma_start3A_219 : memref<!tpu.dma_semaphore, #tpu.memory_space<semaphore_mem>>)
      %add3A_222 = arith.constant 3 : i32
      %add3A_223 = arith.addi %add3A_192, %add3A_222 : i32
      %lt3A_224 = arith.cmpi slt, %add3A_223, %add3A_51 : i32
      %convert_element_type3A_225 = arith.extui %lt3A_224 : i1 to i32
      %cond3A_226 = arith.constant 0 : i32
      %cond3A_227 = arith.cmpi ne, %convert_element_type3A_225, %cond3A_226 : i32
      scf.if %cond3A_227 {
        %ge3A_306 = arith.constant 6 : i32
        %ge3A_307 = arith.cmpi sge, %add3A_223, %ge3A_306 : i32
        %convert_element_type3A_308 = arith.extui %ge3A_307 : i1 to i32
        %cond3A_309 = arith.constant 0 : i32
        %cond3A_310 = arith.cmpi ne, %convert_element_type3A_308, %cond3A_309 : i32
        scf.if %cond3A_310 {
          %dma_wait3A_320 = arith.constant 0 : i32
          %dma_wait3A_321 = arith.constant 0 : i32
          %dma_wait3A_322 = arith.constant 0 : i32
          %dma_wait3A_323 = tpu.memref_slice %arg4[%dma_wait3A_321, %dma_wait3A_322] : memref<100000x128xf32, #tpu.memory_space<hbm>> -> memref<128x128xf32, #tpu.memory_space<hbm>>
          %dma_wait3A_324 = tpu.memref_slice %arg15[%dma_wait3A_320] : memref<6x!tpu.dma_semaphore, #tpu.memory_space<semaphore_mem>> -> memref<1x!tpu.dma_semaphore, #tpu.memory_space<semaphore_mem>>
          %dma_wait3A_325 = tpu.memref_squeeze %dma_wait3A_324 : memref<1x!tpu.dma_semaphore, #tpu.memory_space<semaphore_mem>> -> memref<!tpu.dma_semaphore, #tpu.memory_space<semaphore_mem>>
          %dma_wait3A_326 = arith.constant 0 : i32
          %dma_wait3A_327 = arith.constant 0 : i32
          %dma_wait3A_328 = tpu.memref_slice %arg4[%dma_wait3A_326, %dma_wait3A_327] : memref<100000x128xf32, #tpu.memory_space<hbm>> -> memref<128x128xf32, #tpu.memory_space<hbm>>
          tpu.wait_dma2 semaphore(%dma_wait3A_325 : memref<!tpu.dma_semaphore, #tpu.memory_space<semaphore_mem>>) src(%arg7 : memref<128x128xf32, #tpu.memory_space<vmem>>) dst(%dma_wait3A_328 : memref<128x128xf32, #tpu.memory_space<hbm>>)
          %dma_wait3A_329 = arith.constant 0 : i32
          %dma_wait3A_330 = arith.constant 0 : i32
          %dma_wait3A_331 = arith.constant 0 : i32
          %dma_wait3A_332 = tpu.memref_slice %arg5[%dma_wait3A_330, %dma_wait3A_331] : memref<100000x128xf32, #tpu.memory_space<hbm>> -> memref<128x128xf32, #tpu.memory_space<hbm>>
          %dma_wait3A_333 = tpu.memref_slice %arg16[%dma_wait3A_329] : memref<6x!tpu.dma_semaphore, #tpu.memory_space<semaphore_mem>> -> memref<1x!tpu.dma_semaphore, #tpu.memory_space<semaphore_mem>>
          %dma_wait3A_334 = tpu.memref_squeeze %dma_wait3A_333 : memref<1x!tpu.dma_semaphore, #tpu.memory_space<semaphore_mem>> -> memref<!tpu.dma_semaphore, #tpu.memory_space<semaphore_mem>>
          %dma_wait3A_335 = arith.constant 0 : i32
          %dma_wait3A_336 = arith.constant 0 : i32
          %dma_wait3A_337 = tpu.memref_slice %arg5[%dma_wait3A_335, %dma_wait3A_336] : memref<100000x128xf32, #tpu.memory_space<hbm>> -> memref<128x128xf32, #tpu.memory_space<hbm>>
          tpu.wait_dma2 semaphore(%dma_wait3A_334 : memref<!tpu.dma_semaphore, #tpu.memory_space<semaphore_mem>>) src(%arg7 : memref<128x128xf32, #tpu.memory_space<vmem>>) dst(%dma_wait3A_337 : memref<128x128xf32, #tpu.memory_space<hbm>>)
        } else {
        }
        %mul3A_311 = arith.constant 128 : i32
        %mul3A_312 = arith.muli %add3A_223, %mul3A_311 : i32
        %dma_start3A_313 = arith.constant 0 : i32
        %dma_start3A_314 = tpu.memref_slice %arg6[%mul3A_312] : memref<3200xi32, #tpu.memory_space<vmem>> -> memref<128xi32, #tpu.memory_space<vmem>>
        %dma_start3A_315 = arith.constant 0 : i32
        %dma_start3A_316 = arith.constant 0 : i32
        %dma_start3A_317 = tpu.memref_slice %arg17[%dma_start3A_315, %dma_start3A_316] : memref<120x128xf32, #tpu.memory_space<vmem_shared>> -> memref<120x128xf32, #tpu.memory_space<vmem_shared>>
        %dma_start3A_318 = tpu.memref_slice %arg14[%dma_start3A_313] : memref<6x!tpu.dma_semaphore, #tpu.memory_space<semaphore_mem>> -> memref<1x!tpu.dma_semaphore, #tpu.memory_space<semaphore_mem>>
        %dma_start3A_319 = tpu.memref_squeeze %dma_start3A_318 : memref<1x!tpu.dma_semaphore, #tpu.memory_space<semaphore_mem>> -> memref<!tpu.dma_semaphore, #tpu.memory_space<semaphore_mem>>
        tpu.enqueue_indirect_dma source(%dma_start3A_317 : memref<120x128xf32, #tpu.memory_space<vmem_shared>>) target(%arg7 : memref<128x128xf32, #tpu.memory_space<vmem>>) offsets(%dma_start3A_314 : memref<128xi32, #tpu.memory_space<vmem>>) semaphore(%dma_start3A_319 : memref<!tpu.dma_semaphore, #tpu.memory_space<semaphore_mem>>)
      } else {
      }
      %mul3A_228 = arith.constant 6 : i32
      %mul3A_229 = arith.muli %scan3A_72, %mul3A_228 : i32
      %add3A_230 = arith.constant 4 : i32
      %add3A_231 = arith.addi %mul3A_229, %add3A_230 : i32
      %mul3A_232 = arith.constant 128 : i32
      %mul3A_233 = arith.muli %add3A_231, %mul3A_232 : i32
      %dma_wait3A_234 = arith.constant 4 : i32
      %dma_wait3A_235 = tpu.memref_slice %arg6[%mul3A_233] : memref<3200xi32, #tpu.memory_space<vmem>> -> memref<128xi32, #tpu.memory_space<vmem>>
      %dma_wait3A_236 = arith.constant 0 : i32
      %dma_wait3A_237 = arith.constant 0 : i32
      %dma_wait3A_238 = tpu.memref_slice %arg17[%dma_wait3A_236, %dma_wait3A_237] : memref<120x128xf32, #tpu.memory_space<vmem_shared>> -> memref<120x128xf32, #tpu.memory_space<vmem_shared>>
      %dma_wait3A_239 = tpu.memref_slice %arg14[%dma_wait3A_234] : memref<6x!tpu.dma_semaphore, #tpu.memory_space<semaphore_mem>> -> memref<1x!tpu.dma_semaphore, #tpu.memory_space<semaphore_mem>>
      %dma_wait3A_240 = tpu.memref_squeeze %dma_wait3A_239 : memref<1x!tpu.dma_semaphore, #tpu.memory_space<semaphore_mem>> -> memref<!tpu.dma_semaphore, #tpu.memory_space<semaphore_mem>>
      tpu.wait_indirect_dma semaphore(%dma_wait3A_240 : memref<!tpu.dma_semaphore, #tpu.memory_space<semaphore_mem>>) src(%dma_wait3A_238 : memref<120x128xf32, #tpu.memory_space<vmem_shared>>) dst(%arg11 : memref<128x128xf32, #tpu.memory_space<vmem>>)
      %add3A_241 = arith.addi %add3A_4, %add3A_231 : i32
      %mul3A_242 = arith.constant 128 : i32
      %mul3A_243 = arith.muli %add3A_241, %mul3A_242 : i32
      %dma_start3A_244 = arith.constant 4 : i32
      %dma_start3A_245 = arith.constant 0 : i32
      %dma_start3A_246 = tpu.memref_slice %arg4[%mul3A_243, %dma_start3A_245] : memref<100000x128xf32, #tpu.memory_space<hbm>> -> memref<128x128xf32, #tpu.memory_space<hbm>>
      %dma_start3A_247 = tpu.memref_slice %arg15[%dma_start3A_244] : memref<6x!tpu.dma_semaphore, #tpu.memory_space<semaphore_mem>> -> memref<1x!tpu.dma_semaphore, #tpu.memory_space<semaphore_mem>>
      %dma_start3A_248 = tpu.memref_squeeze %dma_start3A_247 : memref<1x!tpu.dma_semaphore, #tpu.memory_space<semaphore_mem>> -> memref<!tpu.dma_semaphore, #tpu.memory_space<semaphore_mem>>
      %dma_start3A_249 = arith.constant 0 : i32
      %dma_start3A_250 = tpu.memref_slice %arg4[%mul3A_243, %dma_start3A_249] : memref<100000x128xf32, #tpu.memory_space<hbm>> -> memref<128x128xf32, #tpu.memory_space<hbm>>
      tpu.enqueue_dma source(%arg11 : memref<128x128xf32, #tpu.memory_space<vmem>>) target(%dma_start3A_250 : memref<128x128xf32, #tpu.memory_space<hbm>>) target_semaphore(%dma_start3A_248 : memref<!tpu.dma_semaphore, #tpu.memory_space<semaphore_mem>>)
      %add3A_251 = arith.addi %add3A_4, %add3A_231 : i32
      %mul3A_252 = arith.constant 128 : i32
      %mul3A_253 = arith.muli %add3A_251, %mul3A_252 : i32
      %dma_start3A_254 = arith.constant 4 : i32
      %dma_start3A_255 = arith.constant 0 : i32
      %dma_start3A_256 = tpu.memref_slice %arg5[%mul3A_253, %dma_start3A_255] : memref<100000x128xf32, #tpu.memory_space<hbm>> -> memref<128x128xf32, #tpu.memory_space<hbm>>
      %dma_start3A_257 = tpu.memref_slice %arg16[%dma_start3A_254] : memref<6x!tpu.dma_semaphore, #tpu.memory_space<semaphore_mem>> -> memref<1x!tpu.dma_semaphore, #tpu.memory_space<semaphore_mem>>
      %dma_start3A_258 = tpu.memref_squeeze %dma_start3A_257 : memref<1x!tpu.dma_semaphore, #tpu.memory_space<semaphore_mem>> -> memref<!tpu.dma_semaphore, #tpu.memory_space<semaphore_mem>>
      %dma_start3A_259 = arith.constant 0 : i32
      %dma_start3A_260 = tpu.memref_slice %arg5[%mul3A_253, %dma_start3A_259] : memref<100000x128xf32, #tpu.memory_space<hbm>> -> memref<128x128xf32, #tpu.memory_space<hbm>>
      tpu.enqueue_dma source(%arg11 : memref<128x128xf32, #tpu.memory_space<vmem>>) target(%dma_start3A_260 : memref<128x128xf32, #tpu.memory_space<hbm>>) target_semaphore(%dma_start3A_258 : memref<!tpu.dma_semaphore, #tpu.memory_space<semaphore_mem>>)
      %add3A_261 = arith.constant 3 : i32
      %add3A_262 = arith.addi %add3A_231, %add3A_261 : i32
      %lt3A_263 = arith.cmpi slt, %add3A_262, %add3A_51 : i32
      %convert_element_type3A_264 = arith.extui %lt3A_263 : i1 to i32
      %cond3A_265 = arith.constant 0 : i32
      %cond3A_266 = arith.cmpi ne, %convert_element_type3A_264, %cond3A_265 : i32
      scf.if %cond3A_266 {
        %ge3A_306 = arith.constant 6 : i32
        %ge3A_307 = arith.cmpi sge, %add3A_262, %ge3A_306 : i32
        %convert_element_type3A_308 = arith.extui %ge3A_307 : i1 to i32
        %cond3A_309 = arith.constant 0 : i32
        %cond3A_310 = arith.cmpi ne, %convert_element_type3A_308, %cond3A_309 : i32
        scf.if %cond3A_310 {
          %dma_wait3A_320 = arith.constant 1 : i32
          %dma_wait3A_321 = arith.constant 0 : i32
          %dma_wait3A_322 = arith.constant 0 : i32
          %dma_wait3A_323 = tpu.memref_slice %arg4[%dma_wait3A_321, %dma_wait3A_322] : memref<100000x128xf32, #tpu.memory_space<hbm>> -> memref<128x128xf32, #tpu.memory_space<hbm>>
          %dma_wait3A_324 = tpu.memref_slice %arg15[%dma_wait3A_320] : memref<6x!tpu.dma_semaphore, #tpu.memory_space<semaphore_mem>> -> memref<1x!tpu.dma_semaphore, #tpu.memory_space<semaphore_mem>>
          %dma_wait3A_325 = tpu.memref_squeeze %dma_wait3A_324 : memref<1x!tpu.dma_semaphore, #tpu.memory_space<semaphore_mem>> -> memref<!tpu.dma_semaphore, #tpu.memory_space<semaphore_mem>>
          %dma_wait3A_326 = arith.constant 0 : i32
          %dma_wait3A_327 = arith.constant 0 : i32
          %dma_wait3A_328 = tpu.memref_slice %arg4[%dma_wait3A_326, %dma_wait3A_327] : memref<100000x128xf32, #tpu.memory_space<hbm>> -> memref<128x128xf32, #tpu.memory_space<hbm>>
          tpu.wait_dma2 semaphore(%dma_wait3A_325 : memref<!tpu.dma_semaphore, #tpu.memory_space<semaphore_mem>>) src(%arg8 : memref<128x128xf32, #tpu.memory_space<vmem>>) dst(%dma_wait3A_328 : memref<128x128xf32, #tpu.memory_space<hbm>>)
          %dma_wait3A_329 = arith.constant 1 : i32
          %dma_wait3A_330 = arith.constant 0 : i32
          %dma_wait3A_331 = arith.constant 0 : i32
          %dma_wait3A_332 = tpu.memref_slice %arg5[%dma_wait3A_330, %dma_wait3A_331] : memref<100000x128xf32, #tpu.memory_space<hbm>> -> memref<128x128xf32, #tpu.memory_space<hbm>>
          %dma_wait3A_333 = tpu.memref_slice %arg16[%dma_wait3A_329] : memref<6x!tpu.dma_semaphore, #tpu.memory_space<semaphore_mem>> -> memref<1x!tpu.dma_semaphore, #tpu.memory_space<semaphore_mem>>
          %dma_wait3A_334 = tpu.memref_squeeze %dma_wait3A_333 : memref<1x!tpu.dma_semaphore, #tpu.memory_space<semaphore_mem>> -> memref<!tpu.dma_semaphore, #tpu.memory_space<semaphore_mem>>
          %dma_wait3A_335 = arith.constant 0 : i32
          %dma_wait3A_336 = arith.constant 0 : i32
          %dma_wait3A_337 = tpu.memref_slice %arg5[%dma_wait3A_335, %dma_wait3A_336] : memref<100000x128xf32, #tpu.memory_space<hbm>> -> memref<128x128xf32, #tpu.memory_space<hbm>>
          tpu.wait_dma2 semaphore(%dma_wait3A_334 : memref<!tpu.dma_semaphore, #tpu.memory_space<semaphore_mem>>) src(%arg8 : memref<128x128xf32, #tpu.memory_space<vmem>>) dst(%dma_wait3A_337 : memref<128x128xf32, #tpu.memory_space<hbm>>)
        } else {
        }
        %mul3A_311 = arith.constant 128 : i32
        %mul3A_312 = arith.muli %add3A_262, %mul3A_311 : i32
        %dma_start3A_313 = arith.constant 1 : i32
        %dma_start3A_314 = tpu.memref_slice %arg6[%mul3A_312] : memref<3200xi32, #tpu.memory_space<vmem>> -> memref<128xi32, #tpu.memory_space<vmem>>
        %dma_start3A_315 = arith.constant 0 : i32
        %dma_start3A_316 = arith.constant 0 : i32
        %dma_start3A_317 = tpu.memref_slice %arg17[%dma_start3A_315, %dma_start3A_316] : memref<120x128xf32, #tpu.memory_space<vmem_shared>> -> memref<120x128xf32, #tpu.memory_space<vmem_shared>>
        %dma_start3A_318 = tpu.memref_slice %arg14[%dma_start3A_313] : memref<6x!tpu.dma_semaphore, #tpu.memory_space<semaphore_mem>> -> memref<1x!tpu.dma_semaphore, #tpu.memory_space<semaphore_mem>>
        %dma_start3A_319 = tpu.memref_squeeze %dma_start3A_318 : memref<1x!tpu.dma_semaphore, #tpu.memory_space<semaphore_mem>> -> memref<!tpu.dma_semaphore, #tpu.memory_space<semaphore_mem>>
        tpu.enqueue_indirect_dma source(%dma_start3A_317 : memref<120x128xf32, #tpu.memory_space<vmem_shared>>) target(%arg8 : memref<128x128xf32, #tpu.memory_space<vmem>>) offsets(%dma_start3A_314 : memref<128xi32, #tpu.memory_space<vmem>>) semaphore(%dma_start3A_319 : memref<!tpu.dma_semaphore, #tpu.memory_space<semaphore_mem>>)
      } else {
      }
      %mul3A_267 = arith.constant 6 : i32
      %mul3A_268 = arith.muli %scan3A_72, %mul3A_267 : i32
      %add3A_269 = arith.constant 5 : i32
      %add3A_270 = arith.addi %mul3A_268, %add3A_269 : i32
      %mul3A_271 = arith.constant 128 : i32
      %mul3A_272 = arith.muli %add3A_270, %mul3A_271 : i32
      %dma_wait3A_273 = arith.constant 5 : i32
      %dma_wait3A_274 = tpu.memref_slice %arg6[%mul3A_272] : memref<3200xi32, #tpu.memory_space<vmem>> -> memref<128xi32, #tpu.memory_space<vmem>>
      %dma_wait3A_275 = arith.constant 0 : i32
      %dma_wait3A_276 = arith.constant 0 : i32
      %dma_wait3A_277 = tpu.memref_slice %arg17[%dma_wait3A_275, %dma_wait3A_276] : memref<120x128xf32, #tpu.memory_space<vmem_shared>> -> memref<120x128xf32, #tpu.memory_space<vmem_shared>>
      %dma_wait3A_278 = tpu.memref_slice %arg14[%dma_wait3A_273] : memref<6x!tpu.dma_semaphore, #tpu.memory_space<semaphore_mem>> -> memref<1x!tpu.dma_semaphore, #tpu.memory_space<semaphore_mem>>
      %dma_wait3A_279 = tpu.memref_squeeze %dma_wait3A_278 : memref<1x!tpu.dma_semaphore, #tpu.memory_space<semaphore_mem>> -> memref<!tpu.dma_semaphore, #tpu.memory_space<semaphore_mem>>
      tpu.wait_indirect_dma semaphore(%dma_wait3A_279 : memref<!tpu.dma_semaphore, #tpu.memory_space<semaphore_mem>>) src(%dma_wait3A_277 : memref<120x128xf32, #tpu.memory_space<vmem_shared>>) dst(%arg12 : memref<128x128xf32, #tpu.memory_space<vmem>>)
      %add3A_280 = arith.addi %add3A_4, %add3A_270 : i32
      %mul3A_281 = arith.constant 128 : i32
      %mul3A_282 = arith.muli %add3A_280, %mul3A_281 : i32
      %dma_start3A_283 = arith.constant 5 : i32
      %dma_start3A_284 = arith.constant 0 : i32
      %dma_start3A_285 = tpu.memref_slice %arg4[%mul3A_282, %dma_start3A_284] : memref<100000x128xf32, #tpu.memory_space<hbm>> -> memref<128x128xf32, #tpu.memory_space<hbm>>
      %dma_start3A_286 = tpu.memref_slice %arg15[%dma_start3A_283] : memref<6x!tpu.dma_semaphore, #tpu.memory_space<semaphore_mem>> -> memref<1x!tpu.dma_semaphore, #tpu.memory_space<semaphore_mem>>
      %dma_start3A_287 = tpu.memref_squeeze %dma_start3A_286 : memref<1x!tpu.dma_semaphore, #tpu.memory_space<semaphore_mem>> -> memref<!tpu.dma_semaphore, #tpu.memory_space<semaphore_mem>>
      %dma_start3A_288 = arith.constant 0 : i32
      %dma_start3A_289 = tpu.memref_slice %arg4[%mul3A_282, %dma_start3A_288] : memref<100000x128xf32, #tpu.memory_space<hbm>> -> memref<128x128xf32, #tpu.memory_space<hbm>>
      tpu.enqueue_dma source(%arg12 : memref<128x128xf32, #tpu.memory_space<vmem>>) target(%dma_start3A_289 : memref<128x128xf32, #tpu.memory_space<hbm>>) target_semaphore(%dma_start3A_287 : memref<!tpu.dma_semaphore, #tpu.memory_space<semaphore_mem>>)
      %add3A_290 = arith.addi %add3A_4, %add3A_270 : i32
      %mul3A_291 = arith.constant 128 : i32
      %mul3A_292 = arith.muli %add3A_290, %mul3A_291 : i32
      %dma_start3A_293 = arith.constant 5 : i32
      %dma_start3A_294 = arith.constant 0 : i32
      %dma_start3A_295 = tpu.memref_slice %arg5[%mul3A_292, %dma_start3A_294] : memref<100000x128xf32, #tpu.memory_space<hbm>> -> memref<128x128xf32, #tpu.memory_space<hbm>>
      %dma_start3A_296 = tpu.memref_slice %arg16[%dma_start3A_293] : memref<6x!tpu.dma_semaphore, #tpu.memory_space<semaphore_mem>> -> memref<1x!tpu.dma_semaphore, #tpu.memory_space<semaphore_mem>>
      %dma_start3A_297 = tpu.memref_squeeze %dma_start3A_296 : memref<1x!tpu.dma_semaphore, #tpu.memory_space<semaphore_mem>> -> memref<!tpu.dma_semaphore, #tpu.memory_space<semaphore_mem>>
      %dma_start3A_298 = arith.constant 0 : i32
      %dma_start3A_299 = tpu.memref_slice %arg5[%mul3A_292, %dma_start3A_298] : memref<100000x128xf32, #tpu.memory_space<hbm>> -> memref<128x128xf32, #tpu.memory_space<hbm>>
      tpu.enqueue_dma source(%arg12 : memref<128x128xf32, #tpu.memory_space<vmem>>) target(%dma_start3A_299 : memref<128x128xf32, #tpu.memory_space<hbm>>) target_semaphore(%dma_start3A_297 : memref<!tpu.dma_semaphore, #tpu.memory_space<semaphore_mem>>)
      %add3A_300 = arith.constant 3 : i32
      %add3A_301 = arith.addi %add3A_270, %add3A_300 : i32
      %lt3A_302 = arith.cmpi slt, %add3A_301, %add3A_51 : i32
      %convert_element_type3A_303 = arith.extui %lt3A_302 : i1 to i32
      %cond3A_304 = arith.constant 0 : i32
      %cond3A_305 = arith.cmpi ne, %convert_element_type3A_303, %cond3A_304 : i32
      scf.if %cond3A_305 {
        %ge3A_306 = arith.constant 6 : i32
        %ge3A_307 = arith.cmpi sge, %add3A_301, %ge3A_306 : i32
        %convert_element_type3A_308 = arith.extui %ge3A_307 : i1 to i32
        %cond3A_309 = arith.constant 0 : i32
        %cond3A_310 = arith.cmpi ne, %convert_element_type3A_308, %cond3A_309 : i32
        scf.if %cond3A_310 {
          %dma_wait3A_320 = arith.constant 2 : i32
          %dma_wait3A_321 = arith.constant 0 : i32
          %dma_wait3A_322 = arith.constant 0 : i32
          %dma_wait3A_323 = tpu.memref_slice %arg4[%dma_wait3A_321, %dma_wait3A_322] : memref<100000x128xf32, #tpu.memory_space<hbm>> -> memref<128x128xf32, #tpu.memory_space<hbm>>
          %dma_wait3A_324 = tpu.memref_slice %arg15[%dma_wait3A_320] : memref<6x!tpu.dma_semaphore, #tpu.memory_space<semaphore_mem>> -> memref<1x!tpu.dma_semaphore, #tpu.memory_space<semaphore_mem>>
          %dma_wait3A_325 = tpu.memref_squeeze %dma_wait3A_324 : memref<1x!tpu.dma_semaphore, #tpu.memory_space<semaphore_mem>> -> memref<!tpu.dma_semaphore, #tpu.memory_space<semaphore_mem>>
          %dma_wait3A_326 = arith.constant 0 : i32
          %dma_wait3A_327 = arith.constant 0 : i32
          %dma_wait3A_328 = tpu.memref_slice %arg4[%dma_wait3A_326, %dma_wait3A_327] : memref<100000x128xf32, #tpu.memory_space<hbm>> -> memref<128x128xf32, #tpu.memory_space<hbm>>
          tpu.wait_dma2 semaphore(%dma_wait3A_325 : memref<!tpu.dma_semaphore, #tpu.memory_space<semaphore_mem>>) src(%arg9 : memref<128x128xf32, #tpu.memory_space<vmem>>) dst(%dma_wait3A_328 : memref<128x128xf32, #tpu.memory_space<hbm>>)
          %dma_wait3A_329 = arith.constant 2 : i32
          %dma_wait3A_330 = arith.constant 0 : i32
          %dma_wait3A_331 = arith.constant 0 : i32
          %dma_wait3A_332 = tpu.memref_slice %arg5[%dma_wait3A_330, %dma_wait3A_331] : memref<100000x128xf32, #tpu.memory_space<hbm>> -> memref<128x128xf32, #tpu.memory_space<hbm>>
          %dma_wait3A_333 = tpu.memref_slice %arg16[%dma_wait3A_329] : memref<6x!tpu.dma_semaphore, #tpu.memory_space<semaphore_mem>> -> memref<1x!tpu.dma_semaphore, #tpu.memory_space<semaphore_mem>>
          %dma_wait3A_334 = tpu.memref_squeeze %dma_wait3A_333 : memref<1x!tpu.dma_semaphore, #tpu.memory_space<semaphore_mem>> -> memref<!tpu.dma_semaphore, #tpu.memory_space<semaphore_mem>>
          %dma_wait3A_335 = arith.constant 0 : i32
          %dma_wait3A_336 = arith.constant 0 : i32
          %dma_wait3A_337 = tpu.memref_slice %arg5[%dma_wait3A_335, %dma_wait3A_336] : memref<100000x128xf32, #tpu.memory_space<hbm>> -> memref<128x128xf32, #tpu.memory_space<hbm>>
          tpu.wait_dma2 semaphore(%dma_wait3A_334 : memref<!tpu.dma_semaphore, #tpu.memory_space<semaphore_mem>>) src(%arg9 : memref<128x128xf32, #tpu.memory_space<vmem>>) dst(%dma_wait3A_337 : memref<128x128xf32, #tpu.memory_space<hbm>>)
        } else {
        }
        %mul3A_311 = arith.constant 128 : i32
        %mul3A_312 = arith.muli %add3A_301, %mul3A_311 : i32
        %dma_start3A_313 = arith.constant 2 : i32
        %dma_start3A_314 = tpu.memref_slice %arg6[%mul3A_312] : memref<3200xi32, #tpu.memory_space<vmem>> -> memref<128xi32, #tpu.memory_space<vmem>>
        %dma_start3A_315 = arith.constant 0 : i32
        %dma_start3A_316 = arith.constant 0 : i32
        %dma_start3A_317 = tpu.memref_slice %arg17[%dma_start3A_315, %dma_start3A_316] : memref<120x128xf32, #tpu.memory_space<vmem_shared>> -> memref<120x128xf32, #tpu.memory_space<vmem_shared>>
        %dma_start3A_318 = tpu.memref_slice %arg14[%dma_start3A_313] : memref<6x!tpu.dma_semaphore, #tpu.memory_space<semaphore_mem>> -> memref<1x!tpu.dma_semaphore, #tpu.memory_space<semaphore_mem>>
        %dma_start3A_319 = tpu.memref_squeeze %dma_start3A_318 : memref<1x!tpu.dma_semaphore, #tpu.memory_space<semaphore_mem>> -> memref<!tpu.dma_semaphore, #tpu.memory_space<semaphore_mem>>
        tpu.enqueue_indirect_dma source(%dma_start3A_317 : memref<120x128xf32, #tpu.memory_space<vmem_shared>>) target(%arg9 : memref<128x128xf32, #tpu.memory_space<vmem>>) offsets(%dma_start3A_314 : memref<128xi32, #tpu.memory_space<vmem>>) semaphore(%dma_start3A_319 : memref<!tpu.dma_semaphore, #tpu.memory_space<semaphore_mem>>)
      } else {
      }
    }
    %scan3A_56 = arith.constant 4 : i32
    %lt3A_57 = arith.constant 13 : i32
    %lt3A_58 = arith.cmpi slt, %add3A, %lt3A_57 : i32
    %convert_element_type3A_59 = arith.extui %lt3A_58 : i1 to i32
    %cond3A_60 = arith.constant 0 : i32
    %cond3A_61 = arith.cmpi ne, %convert_element_type3A_59, %cond3A_60 : i32
    scf.if %cond3A_61 {
      %dma_wait3A = arith.constant 0 : i32
      %dma_wait3A_72 = arith.constant 3072 : i32
      %dma_wait3A_73 = tpu.memref_slice %arg6[%dma_wait3A_72] : memref<3200xi32, #tpu.memory_space<vmem>> -> memref<128xi32, #tpu.memory_space<vmem>>
      %dma_wait3A_74 = arith.constant 0 : i32
      %dma_wait3A_75 = arith.constant 0 : i32
      %dma_wait3A_76 = tpu.memref_slice %arg17[%dma_wait3A_74, %dma_wait3A_75] : memref<120x128xf32, #tpu.memory_space<vmem_shared>> -> memref<120x128xf32, #tpu.memory_space<vmem_shared>>
      %dma_wait3A_77 = tpu.memref_slice %arg14[%dma_wait3A] : memref<6x!tpu.dma_semaphore, #tpu.memory_space<semaphore_mem>> -> memref<1x!tpu.dma_semaphore, #tpu.memory_space<semaphore_mem>>
      %dma_wait3A_78 = tpu.memref_squeeze %dma_wait3A_77 : memref<1x!tpu.dma_semaphore, #tpu.memory_space<semaphore_mem>> -> memref<!tpu.dma_semaphore, #tpu.memory_space<semaphore_mem>>
      tpu.wait_indirect_dma semaphore(%dma_wait3A_78 : memref<!tpu.dma_semaphore, #tpu.memory_space<semaphore_mem>>) src(%dma_wait3A_76 : memref<120x128xf32, #tpu.memory_space<vmem_shared>>) dst(%arg7 : memref<128x128xf32, #tpu.memory_space<vmem>>)
      %add3A_79 = arith.constant 24 : i32
      %add3A_80 = arith.addi %add3A_4, %add3A_79 : i32
      %mul3A_81 = arith.constant 128 : i32
      %mul3A_82 = arith.muli %add3A_80, %mul3A_81 : i32
      "tpu.region"() ({
        %run_scoped3A = tpu.sem_alloc : memref<!tpu.dma_semaphore, #tpu.memory_space<semaphore_mem>>
        %dma_start3A_177 = arith.constant 0 : i32
        %dma_start3A_178 = tpu.memref_slice %arg4[%mul3A_82, %dma_start3A_177] : memref<100000x128xf32, #tpu.memory_space<hbm>> -> memref<128x128xf32, #tpu.memory_space<hbm>>
        %dma_start3A_179 = arith.constant 0 : i32
        %dma_start3A_180 = tpu.memref_slice %arg4[%mul3A_82, %dma_start3A_179] : memref<100000x128xf32, #tpu.memory_space<hbm>> -> memref<128x128xf32, #tpu.memory_space<hbm>>
        tpu.enqueue_dma source(%arg7 : memref<128x128xf32, #tpu.memory_space<vmem>>) target(%dma_start3A_180 : memref<128x128xf32, #tpu.memory_space<hbm>>) target_semaphore(%run_scoped3A : memref<!tpu.dma_semaphore, #tpu.memory_space<semaphore_mem>>)
        %dma_wait3A_181 = arith.constant 0 : i32
        %dma_wait3A_182 = tpu.memref_slice %arg4[%mul3A_82, %dma_wait3A_181] : memref<100000x128xf32, #tpu.memory_space<hbm>> -> memref<128x128xf32, #tpu.memory_space<hbm>>
        %dma_wait3A_183 = arith.constant 0 : i32
        %dma_wait3A_184 = tpu.memref_slice %arg4[%mul3A_82, %dma_wait3A_183] : memref<100000x128xf32, #tpu.memory_space<hbm>> -> memref<128x128xf32, #tpu.memory_space<hbm>>
        tpu.wait_dma2 semaphore(%run_scoped3A : memref<!tpu.dma_semaphore, #tpu.memory_space<semaphore_mem>>) src(%arg7 : memref<128x128xf32, #tpu.memory_space<vmem>>) dst(%dma_wait3A_184 : memref<128x128xf32, #tpu.memory_space<hbm>>)
        tpu.yield
      }) : () -> ()
      %add3A_83 = arith.constant 24 : i32
      %add3A_84 = arith.addi %add3A_4, %add3A_83 : i32
      %mul3A_85 = arith.constant 128 : i32
      %mul3A_86 = arith.muli %add3A_84, %mul3A_85 : i32
      "tpu.region"() ({
        %run_scoped3A = tpu.sem_alloc : memref<!tpu.dma_semaphore, #tpu.memory_space<semaphore_mem>>
        %dma_start3A_177 = arith.constant 0 : i32
        %dma_start3A_178 = tpu.memref_slice %arg5[%mul3A_86, %dma_start3A_177] : memref<100000x128xf32, #tpu.memory_space<hbm>> -> memref<128x128xf32, #tpu.memory_space<hbm>>
        %dma_start3A_179 = arith.constant 0 : i32
        %dma_start3A_180 = tpu.memref_slice %arg5[%mul3A_86, %dma_start3A_179] : memref<100000x128xf32, #tpu.memory_space<hbm>> -> memref<128x128xf32, #tpu.memory_space<hbm>>
        tpu.enqueue_dma source(%arg7 : memref<128x128xf32, #tpu.memory_space<vmem>>) target(%dma_start3A_180 : memref<128x128xf32, #tpu.memory_space<hbm>>) target_semaphore(%run_scoped3A : memref<!tpu.dma_semaphore, #tpu.memory_space<semaphore_mem>>)
        %dma_wait3A_181 = arith.constant 0 : i32
        %dma_wait3A_182 = tpu.memref_slice %arg5[%mul3A_86, %dma_wait3A_181] : memref<100000x128xf32, #tpu.memory_space<hbm>> -> memref<128x128xf32, #tpu.memory_space<hbm>>
        %dma_wait3A_183 = arith.constant 0 : i32
        %dma_wait3A_184 = tpu.memref_slice %arg5[%mul3A_86, %dma_wait3A_183] : memref<100000x128xf32, #tpu.memory_space<hbm>> -> memref<128x128xf32, #tpu.memory_space<hbm>>
        tpu.wait_dma2 semaphore(%run_scoped3A : memref<!tpu.dma_semaphore, #tpu.memory_space<semaphore_mem>>) src(%arg7 : memref<128x128xf32, #tpu.memory_space<vmem>>) dst(%dma_wait3A_184 : memref<128x128xf32, #tpu.memory_space<hbm>>)
        tpu.yield
      }) : () -> ()
      %dma_wait3A_87 = arith.constant 1 : i32
      %dma_wait3A_88 = arith.constant 0 : i32
      %dma_wait3A_89 = arith.constant 0 : i32
      %dma_wait3A_90 = tpu.memref_slice %arg4[%dma_wait3A_88, %dma_wait3A_89] : memref<100000x128xf32, #tpu.memory_space<hbm>> -> memref<128x128xf32, #tpu.memory_space<hbm>>
      %dma_wait3A_91 = tpu.memref_slice %arg15[%dma_wait3A_87] : memref<6x!tpu.dma_semaphore, #tpu.memory_space<semaphore_mem>> -> memref<1x!tpu.dma_semaphore, #tpu.memory_space<semaphore_mem>>
      %dma_wait3A_92 = tpu.memref_squeeze %dma_wait3A_91 : memref<1x!tpu.dma_semaphore, #tpu.memory_space<semaphore_mem>> -> memref<!tpu.dma_semaphore, #tpu.memory_space<semaphore_mem>>
      %dma_wait3A_93 = arith.constant 0 : i32
      %dma_wait3A_94 = arith.constant 0 : i32
      %dma_wait3A_95 = tpu.memref_slice %arg4[%dma_wait3A_93, %dma_wait3A_94] : memref<100000x128xf32, #tpu.memory_space<hbm>> -> memref<128x128xf32, #tpu.memory_space<hbm>>
      tpu.wait_dma2 semaphore(%dma_wait3A_92 : memref<!tpu.dma_semaphore, #tpu.memory_space<semaphore_mem>>) src(%arg8 : memref<128x128xf32, #tpu.memory_space<vmem>>) dst(%dma_wait3A_95 : memref<128x128xf32, #tpu.memory_space<hbm>>)
      %dma_wait3A_96 = arith.constant 1 : i32
      %dma_wait3A_97 = arith.constant 0 : i32
      %dma_wait3A_98 = arith.constant 0 : i32
      %dma_wait3A_99 = tpu.memref_slice %arg5[%dma_wait3A_97, %dma_wait3A_98] : memref<100000x128xf32, #tpu.memory_space<hbm>> -> memref<128x128xf32, #tpu.memory_space<hbm>>
      %dma_wait3A_100 = tpu.memref_slice %arg16[%dma_wait3A_96] : memref<6x!tpu.dma_semaphore, #tpu.memory_space<semaphore_mem>> -> memref<1x!tpu.dma_semaphore, #tpu.memory_space<semaphore_mem>>
      %dma_wait3A_101 = tpu.memref_squeeze %dma_wait3A_100 : memref<1x!tpu.dma_semaphore, #tpu.memory_space<semaphore_mem>> -> memref<!tpu.dma_semaphore, #tpu.memory_space<semaphore_mem>>
      %dma_wait3A_102 = arith.constant 0 : i32
      %dma_wait3A_103 = arith.constant 0 : i32
      %dma_wait3A_104 = tpu.memref_slice %arg5[%dma_wait3A_102, %dma_wait3A_103] : memref<100000x128xf32, #tpu.memory_space<hbm>> -> memref<128x128xf32, #tpu.memory_space<hbm>>
      tpu.wait_dma2 semaphore(%dma_wait3A_101 : memref<!tpu.dma_semaphore, #tpu.memory_space<semaphore_mem>>) src(%arg8 : memref<128x128xf32, #tpu.memory_space<vmem>>) dst(%dma_wait3A_104 : memref<128x128xf32, #tpu.memory_space<hbm>>)
      %dma_wait3A_105 = arith.constant 2 : i32
      %dma_wait3A_106 = arith.constant 0 : i32
      %dma_wait3A_107 = arith.constant 0 : i32
      %dma_wait3A_108 = tpu.memref_slice %arg4[%dma_wait3A_106, %dma_wait3A_107] : memref<100000x128xf32, #tpu.memory_space<hbm>> -> memref<128x128xf32, #tpu.memory_space<hbm>>
      %dma_wait3A_109 = tpu.memref_slice %arg15[%dma_wait3A_105] : memref<6x!tpu.dma_semaphore, #tpu.memory_space<semaphore_mem>> -> memref<1x!tpu.dma_semaphore, #tpu.memory_space<semaphore_mem>>
      %dma_wait3A_110 = tpu.memref_squeeze %dma_wait3A_109 : memref<1x!tpu.dma_semaphore, #tpu.memory_space<semaphore_mem>> -> memref<!tpu.dma_semaphore, #tpu.memory_space<semaphore_mem>>
      %dma_wait3A_111 = arith.constant 0 : i32
      %dma_wait3A_112 = arith.constant 0 : i32
      %dma_wait3A_113 = tpu.memref_slice %arg4[%dma_wait3A_111, %dma_wait3A_112] : memref<100000x128xf32, #tpu.memory_space<hbm>> -> memref<128x128xf32, #tpu.memory_space<hbm>>
      tpu.wait_dma2 semaphore(%dma_wait3A_110 : memref<!tpu.dma_semaphore, #tpu.memory_space<semaphore_mem>>) src(%arg9 : memref<128x128xf32, #tpu.memory_space<vmem>>) dst(%dma_wait3A_113 : memref<128x128xf32, #tpu.memory_space<hbm>>)
      %dma_wait3A_114 = arith.constant 2 : i32
      %dma_wait3A_115 = arith.constant 0 : i32
      %dma_wait3A_116 = arith.constant 0 : i32
      %dma_wait3A_117 = tpu.memref_slice %arg5[%dma_wait3A_115, %dma_wait3A_116] : memref<100000x128xf32, #tpu.memory_space<hbm>> -> memref<128x128xf32, #tpu.memory_space<hbm>>
      %dma_wait3A_118 = tpu.memref_slice %arg16[%dma_wait3A_114] : memref<6x!tpu.dma_semaphore, #tpu.memory_space<semaphore_mem>> -> memref<1x!tpu.dma_semaphore, #tpu.memory_space<semaphore_mem>>
      %dma_wait3A_119 = tpu.memref_squeeze %dma_wait3A_118 : memref<1x!tpu.dma_semaphore, #tpu.memory_space<semaphore_mem>> -> memref<!tpu.dma_semaphore, #tpu.memory_space<semaphore_mem>>
      %dma_wait3A_120 = arith.constant 0 : i32
      %dma_wait3A_121 = arith.constant 0 : i32
      %dma_wait3A_122 = tpu.memref_slice %arg5[%dma_wait3A_120, %dma_wait3A_121] : memref<100000x128xf32, #tpu.memory_space<hbm>> -> memref<128x128xf32, #tpu.memory_space<hbm>>
      tpu.wait_dma2 semaphore(%dma_wait3A_119 : memref<!tpu.dma_semaphore, #tpu.memory_space<semaphore_mem>>) src(%arg9 : memref<128x128xf32, #tpu.memory_space<vmem>>) dst(%dma_wait3A_122 : memref<128x128xf32, #tpu.memory_space<hbm>>)
      %dma_wait3A_123 = arith.constant 3 : i32
      %dma_wait3A_124 = arith.constant 0 : i32
      %dma_wait3A_125 = arith.constant 0 : i32
      %dma_wait3A_126 = tpu.memref_slice %arg4[%dma_wait3A_124, %dma_wait3A_125] : memref<100000x128xf32, #tpu.memory_space<hbm>> -> memref<128x128xf32, #tpu.memory_space<hbm>>
      %dma_wait3A_127 = tpu.memref_slice %arg15[%dma_wait3A_123] : memref<6x!tpu.dma_semaphore, #tpu.memory_space<semaphore_mem>> -> memref<1x!tpu.dma_semaphore, #tpu.memory_space<semaphore_mem>>
      %dma_wait3A_128 = tpu.memref_squeeze %dma_wait3A_127 : memref<1x!tpu.dma_semaphore, #tpu.memory_space<semaphore_mem>> -> memref<!tpu.dma_semaphore, #tpu.memory_space<semaphore_mem>>
      %dma_wait3A_129 = arith.constant 0 : i32
      %dma_wait3A_130 = arith.constant 0 : i32
      %dma_wait3A_131 = tpu.memref_slice %arg4[%dma_wait3A_129, %dma_wait3A_130] : memref<100000x128xf32, #tpu.memory_space<hbm>> -> memref<128x128xf32, #tpu.memory_space<hbm>>
      tpu.wait_dma2 semaphore(%dma_wait3A_128 : memref<!tpu.dma_semaphore, #tpu.memory_space<semaphore_mem>>) src(%arg10 : memref<128x128xf32, #tpu.memory_space<vmem>>) dst(%dma_wait3A_131 : memref<128x128xf32, #tpu.memory_space<hbm>>)
      %dma_wait3A_132 = arith.constant 3 : i32
      %dma_wait3A_133 = arith.constant 0 : i32
      %dma_wait3A_134 = arith.constant 0 : i32
      %dma_wait3A_135 = tpu.memref_slice %arg5[%dma_wait3A_133, %dma_wait3A_134] : memref<100000x128xf32, #tpu.memory_space<hbm>> -> memref<128x128xf32, #tpu.memory_space<hbm>>
      %dma_wait3A_136 = tpu.memref_slice %arg16[%dma_wait3A_132] : memref<6x!tpu.dma_semaphore, #tpu.memory_space<semaphore_mem>> -> memref<1x!tpu.dma_semaphore, #tpu.memory_space<semaphore_mem>>
      %dma_wait3A_137 = tpu.memref_squeeze %dma_wait3A_136 : memref<1x!tpu.dma_semaphore, #tpu.memory_space<semaphore_mem>> -> memref<!tpu.dma_semaphore, #tpu.memory_space<semaphore_mem>>
      %dma_wait3A_138 = arith.constant 0 : i32
      %dma_wait3A_139 = arith.constant 0 : i32
      %dma_wait3A_140 = tpu.memref_slice %arg5[%dma_wait3A_138, %dma_wait3A_139] : memref<100000x128xf32, #tpu.memory_space<hbm>> -> memref<128x128xf32, #tpu.memory_space<hbm>>
      tpu.wait_dma2 semaphore(%dma_wait3A_137 : memref<!tpu.dma_semaphore, #tpu.memory_space<semaphore_mem>>) src(%arg10 : memref<128x128xf32, #tpu.memory_space<vmem>>) dst(%dma_wait3A_140 : memref<128x128xf32, #tpu.memory_space<hbm>>)
      %dma_wait3A_141 = arith.constant 4 : i32
      %dma_wait3A_142 = arith.constant 0 : i32
      %dma_wait3A_143 = arith.constant 0 : i32
      %dma_wait3A_144 = tpu.memref_slice %arg4[%dma_wait3A_142, %dma_wait3A_143] : memref<100000x128xf32, #tpu.memory_space<hbm>> -> memref<128x128xf32, #tpu.memory_space<hbm>>
      %dma_wait3A_145 = tpu.memref_slice %arg15[%dma_wait3A_141] : memref<6x!tpu.dma_semaphore, #tpu.memory_space<semaphore_mem>> -> memref<1x!tpu.dma_semaphore, #tpu.memory_space<semaphore_mem>>
      %dma_wait3A_146 = tpu.memref_squeeze %dma_wait3A_145 : memref<1x!tpu.dma_semaphore, #tpu.memory_space<semaphore_mem>> -> memref<!tpu.dma_semaphore, #tpu.memory_space<semaphore_mem>>
      %dma_wait3A_147 = arith.constant 0 : i32
      %dma_wait3A_148 = arith.constant 0 : i32
      %dma_wait3A_149 = tpu.memref_slice %arg4[%dma_wait3A_147, %dma_wait3A_148] : memref<100000x128xf32, #tpu.memory_space<hbm>> -> memref<128x128xf32, #tpu.memory_space<hbm>>
      tpu.wait_dma2 semaphore(%dma_wait3A_146 : memref<!tpu.dma_semaphore, #tpu.memory_space<semaphore_mem>>) src(%arg11 : memref<128x128xf32, #tpu.memory_space<vmem>>) dst(%dma_wait3A_149 : memref<128x128xf32, #tpu.memory_space<hbm>>)
      %dma_wait3A_150 = arith.constant 4 : i32
      %dma_wait3A_151 = arith.constant 0 : i32
      %dma_wait3A_152 = arith.constant 0 : i32
      %dma_wait3A_153 = tpu.memref_slice %arg5[%dma_wait3A_151, %dma_wait3A_152] : memref<100000x128xf32, #tpu.memory_space<hbm>> -> memref<128x128xf32, #tpu.memory_space<hbm>>
      %dma_wait3A_154 = tpu.memref_slice %arg16[%dma_wait3A_150] : memref<6x!tpu.dma_semaphore, #tpu.memory_space<semaphore_mem>> -> memref<1x!tpu.dma_semaphore, #tpu.memory_space<semaphore_mem>>
      %dma_wait3A_155 = tpu.memref_squeeze %dma_wait3A_154 : memref<1x!tpu.dma_semaphore, #tpu.memory_space<semaphore_mem>> -> memref<!tpu.dma_semaphore, #tpu.memory_space<semaphore_mem>>
      %dma_wait3A_156 = arith.constant 0 : i32
      %dma_wait3A_157 = arith.constant 0 : i32
      %dma_wait3A_158 = tpu.memref_slice %arg5[%dma_wait3A_156, %dma_wait3A_157] : memref<100000x128xf32, #tpu.memory_space<hbm>> -> memref<128x128xf32, #tpu.memory_space<hbm>>
      tpu.wait_dma2 semaphore(%dma_wait3A_155 : memref<!tpu.dma_semaphore, #tpu.memory_space<semaphore_mem>>) src(%arg11 : memref<128x128xf32, #tpu.memory_space<vmem>>) dst(%dma_wait3A_158 : memref<128x128xf32, #tpu.memory_space<hbm>>)
      %dma_wait3A_159 = arith.constant 5 : i32
      %dma_wait3A_160 = arith.constant 0 : i32
      %dma_wait3A_161 = arith.constant 0 : i32
      %dma_wait3A_162 = tpu.memref_slice %arg4[%dma_wait3A_160, %dma_wait3A_161] : memref<100000x128xf32, #tpu.memory_space<hbm>> -> memref<128x128xf32, #tpu.memory_space<hbm>>
      %dma_wait3A_163 = tpu.memref_slice %arg15[%dma_wait3A_159] : memref<6x!tpu.dma_semaphore, #tpu.memory_space<semaphore_mem>> -> memref<1x!tpu.dma_semaphore, #tpu.memory_space<semaphore_mem>>
      %dma_wait3A_164 = tpu.memref_squeeze %dma_wait3A_163 : memref<1x!tpu.dma_semaphore, #tpu.memory_space<semaphore_mem>> -> memref<!tpu.dma_semaphore, #tpu.memory_space<semaphore_mem>>
      %dma_wait3A_165 = arith.constant 0 : i32
      %dma_wait3A_166 = arith.constant 0 : i32
      %dma_wait3A_167 = tpu.memref_slice %arg4[%dma_wait3A_165, %dma_wait3A_166] : memref<100000x128xf32, #tpu.memory_space<hbm>> -> memref<128x128xf32, #tpu.memory_space<hbm>>
      tpu.wait_dma2 semaphore(%dma_wait3A_164 : memref<!tpu.dma_semaphore, #tpu.memory_space<semaphore_mem>>) src(%arg12 : memref<128x128xf32, #tpu.memory_space<vmem>>) dst(%dma_wait3A_167 : memref<128x128xf32, #tpu.memory_space<hbm>>)
      %dma_wait3A_168 = arith.constant 5 : i32
      %dma_wait3A_169 = arith.constant 0 : i32
      %dma_wait3A_170 = arith.constant 0 : i32
      %dma_wait3A_171 = tpu.memref_slice %arg5[%dma_wait3A_169, %dma_wait3A_170] : memref<100000x128xf32, #tpu.memory_space<hbm>> -> memref<128x128xf32, #tpu.memory_space<hbm>>
      %dma_wait3A_172 = tpu.memref_slice %arg16[%dma_wait3A_168] : memref<6x!tpu.dma_semaphore, #tpu.memory_space<semaphore_mem>> -> memref<1x!tpu.dma_semaphore, #tpu.memory_space<semaphore_mem>>
      %dma_wait3A_173 = tpu.memref_squeeze %dma_wait3A_172 : memref<1x!tpu.dma_semaphore, #tpu.memory_space<semaphore_mem>> -> memref<!tpu.dma_semaphore, #tpu.memory_space<semaphore_mem>>
      %dma_wait3A_174 = arith.constant 0 : i32
      %dma_wait3A_175 = arith.constant 0 : i32
      %dma_wait3A_176 = tpu.memref_slice %arg5[%dma_wait3A_174, %dma_wait3A_175] : memref<100000x128xf32, #tpu.memory_space<hbm>> -> memref<128x128xf32, #tpu.memory_space<hbm>>
      tpu.wait_dma2 semaphore(%dma_wait3A_173 : memref<!tpu.dma_semaphore, #tpu.memory_space<semaphore_mem>>) src(%arg12 : memref<128x128xf32, #tpu.memory_space<vmem>>) dst(%dma_wait3A_176 : memref<128x128xf32, #tpu.memory_space<hbm>>)
    } else {
    }
    %ge3A_62 = arith.constant 13 : i32
    %ge3A_63 = arith.cmpi sge, %add3A, %ge3A_62 : i32
    %convert_element_type3A_64 = arith.extui %ge3A_63 : i1 to i32
    %cond3A_65 = arith.constant 0 : i32
    %cond3A_66 = arith.cmpi ne, %convert_element_type3A_64, %cond3A_65 : i32
    scf.if %cond3A_66 {
      %dma_wait3A = arith.constant 0 : i32
      %dma_wait3A_72 = arith.constant 0 : i32
      %dma_wait3A_73 = arith.constant 0 : i32
      %dma_wait3A_74 = tpu.memref_slice %arg4[%dma_wait3A_72, %dma_wait3A_73] : memref<100000x128xf32, #tpu.memory_space<hbm>> -> memref<128x128xf32, #tpu.memory_space<hbm>>
      %dma_wait3A_75 = tpu.memref_slice %arg15[%dma_wait3A] : memref<6x!tpu.dma_semaphore, #tpu.memory_space<semaphore_mem>> -> memref<1x!tpu.dma_semaphore, #tpu.memory_space<semaphore_mem>>
      %dma_wait3A_76 = tpu.memref_squeeze %dma_wait3A_75 : memref<1x!tpu.dma_semaphore, #tpu.memory_space<semaphore_mem>> -> memref<!tpu.dma_semaphore, #tpu.memory_space<semaphore_mem>>
      %dma_wait3A_77 = arith.constant 0 : i32
      %dma_wait3A_78 = arith.constant 0 : i32
      %dma_wait3A_79 = tpu.memref_slice %arg4[%dma_wait3A_77, %dma_wait3A_78] : memref<100000x128xf32, #tpu.memory_space<hbm>> -> memref<128x128xf32, #tpu.memory_space<hbm>>
      tpu.wait_dma2 semaphore(%dma_wait3A_76 : memref<!tpu.dma_semaphore, #tpu.memory_space<semaphore_mem>>) src(%arg7 : memref<128x128xf32, #tpu.memory_space<vmem>>) dst(%dma_wait3A_79 : memref<128x128xf32, #tpu.memory_space<hbm>>)
      %dma_wait3A_80 = arith.constant 0 : i32
      %dma_wait3A_81 = arith.constant 0 : i32
      %dma_wait3A_82 = arith.constant 0 : i32
      %dma_wait3A_83 = tpu.memref_slice %arg5[%dma_wait3A_81, %dma_wait3A_82] : memref<100000x128xf32, #tpu.memory_space<hbm>> -> memref<128x128xf32, #tpu.memory_space<hbm>>
      %dma_wait3A_84 = tpu.memref_slice %arg16[%dma_wait3A_80] : memref<6x!tpu.dma_semaphore, #tpu.memory_space<semaphore_mem>> -> memref<1x!tpu.dma_semaphore, #tpu.memory_space<semaphore_mem>>
      %dma_wait3A_85 = tpu.memref_squeeze %dma_wait3A_84 : memref<1x!tpu.dma_semaphore, #tpu.memory_space<semaphore_mem>> -> memref<!tpu.dma_semaphore, #tpu.memory_space<semaphore_mem>>
      %dma_wait3A_86 = arith.constant 0 : i32
      %dma_wait3A_87 = arith.constant 0 : i32
      %dma_wait3A_88 = tpu.memref_slice %arg5[%dma_wait3A_86, %dma_wait3A_87] : memref<100000x128xf32, #tpu.memory_space<hbm>> -> memref<128x128xf32, #tpu.memory_space<hbm>>
      tpu.wait_dma2 semaphore(%dma_wait3A_85 : memref<!tpu.dma_semaphore, #tpu.memory_space<semaphore_mem>>) src(%arg7 : memref<128x128xf32, #tpu.memory_space<vmem>>) dst(%dma_wait3A_88 : memref<128x128xf32, #tpu.memory_space<hbm>>)
      %dma_wait3A_89 = arith.constant 1 : i32
      %dma_wait3A_90 = arith.constant 0 : i32
      %dma_wait3A_91 = arith.constant 0 : i32
      %dma_wait3A_92 = tpu.memref_slice %arg4[%dma_wait3A_90, %dma_wait3A_91] : memref<100000x128xf32, #tpu.memory_space<hbm>> -> memref<128x128xf32, #tpu.memory_space<hbm>>
      %dma_wait3A_93 = tpu.memref_slice %arg15[%dma_wait3A_89] : memref<6x!tpu.dma_semaphore, #tpu.memory_space<semaphore_mem>> -> memref<1x!tpu.dma_semaphore, #tpu.memory_space<semaphore_mem>>
      %dma_wait3A_94 = tpu.memref_squeeze %dma_wait3A_93 : memref<1x!tpu.dma_semaphore, #tpu.memory_space<semaphore_mem>> -> memref<!tpu.dma_semaphore, #tpu.memory_space<semaphore_mem>>
      %dma_wait3A_95 = arith.constant 0 : i32
      %dma_wait3A_96 = arith.constant 0 : i32
      %dma_wait3A_97 = tpu.memref_slice %arg4[%dma_wait3A_95, %dma_wait3A_96] : memref<100000x128xf32, #tpu.memory_space<hbm>> -> memref<128x128xf32, #tpu.memory_space<hbm>>
      tpu.wait_dma2 semaphore(%dma_wait3A_94 : memref<!tpu.dma_semaphore, #tpu.memory_space<semaphore_mem>>) src(%arg8 : memref<128x128xf32, #tpu.memory_space<vmem>>) dst(%dma_wait3A_97 : memref<128x128xf32, #tpu.memory_space<hbm>>)
      %dma_wait3A_98 = arith.constant 1 : i32
      %dma_wait3A_99 = arith.constant 0 : i32
      %dma_wait3A_100 = arith.constant 0 : i32
      %dma_wait3A_101 = tpu.memref_slice %arg5[%dma_wait3A_99, %dma_wait3A_100] : memref<100000x128xf32, #tpu.memory_space<hbm>> -> memref<128x128xf32, #tpu.memory_space<hbm>>
      %dma_wait3A_102 = tpu.memref_slice %arg16[%dma_wait3A_98] : memref<6x!tpu.dma_semaphore, #tpu.memory_space<semaphore_mem>> -> memref<1x!tpu.dma_semaphore, #tpu.memory_space<semaphore_mem>>
      %dma_wait3A_103 = tpu.memref_squeeze %dma_wait3A_102 : memref<1x!tpu.dma_semaphore, #tpu.memory_space<semaphore_mem>> -> memref<!tpu.dma_semaphore, #tpu.memory_space<semaphore_mem>>
      %dma_wait3A_104 = arith.constant 0 : i32
      %dma_wait3A_105 = arith.constant 0 : i32
      %dma_wait3A_106 = tpu.memref_slice %arg5[%dma_wait3A_104, %dma_wait3A_105] : memref<100000x128xf32, #tpu.memory_space<hbm>> -> memref<128x128xf32, #tpu.memory_space<hbm>>
      tpu.wait_dma2 semaphore(%dma_wait3A_103 : memref<!tpu.dma_semaphore, #tpu.memory_space<semaphore_mem>>) src(%arg8 : memref<128x128xf32, #tpu.memory_space<vmem>>) dst(%dma_wait3A_106 : memref<128x128xf32, #tpu.memory_space<hbm>>)
      %dma_wait3A_107 = arith.constant 2 : i32
      %dma_wait3A_108 = arith.constant 0 : i32
      %dma_wait3A_109 = arith.constant 0 : i32
      %dma_wait3A_110 = tpu.memref_slice %arg4[%dma_wait3A_108, %dma_wait3A_109] : memref<100000x128xf32, #tpu.memory_space<hbm>> -> memref<128x128xf32, #tpu.memory_space<hbm>>
      %dma_wait3A_111 = tpu.memref_slice %arg15[%dma_wait3A_107] : memref<6x!tpu.dma_semaphore, #tpu.memory_space<semaphore_mem>> -> memref<1x!tpu.dma_semaphore, #tpu.memory_space<semaphore_mem>>
      %dma_wait3A_112 = tpu.memref_squeeze %dma_wait3A_111 : memref<1x!tpu.dma_semaphore, #tpu.memory_space<semaphore_mem>> -> memref<!tpu.dma_semaphore, #tpu.memory_space<semaphore_mem>>
      %dma_wait3A_113 = arith.constant 0 : i32
      %dma_wait3A_114 = arith.constant 0 : i32
      %dma_wait3A_115 = tpu.memref_slice %arg4[%dma_wait3A_113, %dma_wait3A_114] : memref<100000x128xf32, #tpu.memory_space<hbm>> -> memref<128x128xf32, #tpu.memory_space<hbm>>
      tpu.wait_dma2 semaphore(%dma_wait3A_112 : memref<!tpu.dma_semaphore, #tpu.memory_space<semaphore_mem>>) src(%arg9 : memref<128x128xf32, #tpu.memory_space<vmem>>) dst(%dma_wait3A_115 : memref<128x128xf32, #tpu.memory_space<hbm>>)
      %dma_wait3A_116 = arith.constant 2 : i32
      %dma_wait3A_117 = arith.constant 0 : i32
      %dma_wait3A_118 = arith.constant 0 : i32
      %dma_wait3A_119 = tpu.memref_slice %arg5[%dma_wait3A_117, %dma_wait3A_118] : memref<100000x128xf32, #tpu.memory_space<hbm>> -> memref<128x128xf32, #tpu.memory_space<hbm>>
      %dma_wait3A_120 = tpu.memref_slice %arg16[%dma_wait3A_116] : memref<6x!tpu.dma_semaphore, #tpu.memory_space<semaphore_mem>> -> memref<1x!tpu.dma_semaphore, #tpu.memory_space<semaphore_mem>>
      %dma_wait3A_121 = tpu.memref_squeeze %dma_wait3A_120 : memref<1x!tpu.dma_semaphore, #tpu.memory_space<semaphore_mem>> -> memref<!tpu.dma_semaphore, #tpu.memory_space<semaphore_mem>>
      %dma_wait3A_122 = arith.constant 0 : i32
      %dma_wait3A_123 = arith.constant 0 : i32
      %dma_wait3A_124 = tpu.memref_slice %arg5[%dma_wait3A_122, %dma_wait3A_123] : memref<100000x128xf32, #tpu.memory_space<hbm>> -> memref<128x128xf32, #tpu.memory_space<hbm>>
      tpu.wait_dma2 semaphore(%dma_wait3A_121 : memref<!tpu.dma_semaphore, #tpu.memory_space<semaphore_mem>>) src(%arg9 : memref<128x128xf32, #tpu.memory_space<vmem>>) dst(%dma_wait3A_124 : memref<128x128xf32, #tpu.memory_space<hbm>>)
      %dma_wait3A_125 = arith.constant 3 : i32
      %dma_wait3A_126 = arith.constant 0 : i32
      %dma_wait3A_127 = arith.constant 0 : i32
      %dma_wait3A_128 = tpu.memref_slice %arg4[%dma_wait3A_126, %dma_wait3A_127] : memref<100000x128xf32, #tpu.memory_space<hbm>> -> memref<128x128xf32, #tpu.memory_space<hbm>>
      %dma_wait3A_129 = tpu.memref_slice %arg15[%dma_wait3A_125] : memref<6x!tpu.dma_semaphore, #tpu.memory_space<semaphore_mem>> -> memref<1x!tpu.dma_semaphore, #tpu.memory_space<semaphore_mem>>
      %dma_wait3A_130 = tpu.memref_squeeze %dma_wait3A_129 : memref<1x!tpu.dma_semaphore, #tpu.memory_space<semaphore_mem>> -> memref<!tpu.dma_semaphore, #tpu.memory_space<semaphore_mem>>
      %dma_wait3A_131 = arith.constant 0 : i32
      %dma_wait3A_132 = arith.constant 0 : i32
      %dma_wait3A_133 = tpu.memref_slice %arg4[%dma_wait3A_131, %dma_wait3A_132] : memref<100000x128xf32, #tpu.memory_space<hbm>> -> memref<128x128xf32, #tpu.memory_space<hbm>>
      tpu.wait_dma2 semaphore(%dma_wait3A_130 : memref<!tpu.dma_semaphore, #tpu.memory_space<semaphore_mem>>) src(%arg10 : memref<128x128xf32, #tpu.memory_space<vmem>>) dst(%dma_wait3A_133 : memref<128x128xf32, #tpu.memory_space<hbm>>)
      %dma_wait3A_134 = arith.constant 3 : i32
      %dma_wait3A_135 = arith.constant 0 : i32
      %dma_wait3A_136 = arith.constant 0 : i32
      %dma_wait3A_137 = tpu.memref_slice %arg5[%dma_wait3A_135, %dma_wait3A_136] : memref<100000x128xf32, #tpu.memory_space<hbm>> -> memref<128x128xf32, #tpu.memory_space<hbm>>
      %dma_wait3A_138 = tpu.memref_slice %arg16[%dma_wait3A_134] : memref<6x!tpu.dma_semaphore, #tpu.memory_space<semaphore_mem>> -> memref<1x!tpu.dma_semaphore, #tpu.memory_space<semaphore_mem>>
      %dma_wait3A_139 = tpu.memref_squeeze %dma_wait3A_138 : memref<1x!tpu.dma_semaphore, #tpu.memory_space<semaphore_mem>> -> memref<!tpu.dma_semaphore, #tpu.memory_space<semaphore_mem>>
      %dma_wait3A_140 = arith.constant 0 : i32
      %dma_wait3A_141 = arith.constant 0 : i32
      %dma_wait3A_142 = tpu.memref_slice %arg5[%dma_wait3A_140, %dma_wait3A_141] : memref<100000x128xf32, #tpu.memory_space<hbm>> -> memref<128x128xf32, #tpu.memory_space<hbm>>
      tpu.wait_dma2 semaphore(%dma_wait3A_139 : memref<!tpu.dma_semaphore, #tpu.memory_space<semaphore_mem>>) src(%arg10 : memref<128x128xf32, #tpu.memory_space<vmem>>) dst(%dma_wait3A_142 : memref<128x128xf32, #tpu.memory_space<hbm>>)
      %dma_wait3A_143 = arith.constant 4 : i32
      %dma_wait3A_144 = arith.constant 0 : i32
      %dma_wait3A_145 = arith.constant 0 : i32
      %dma_wait3A_146 = tpu.memref_slice %arg4[%dma_wait3A_144, %dma_wait3A_145] : memref<100000x128xf32, #tpu.memory_space<hbm>> -> memref<128x128xf32, #tpu.memory_space<hbm>>
      %dma_wait3A_147 = tpu.memref_slice %arg15[%dma_wait3A_143] : memref<6x!tpu.dma_semaphore, #tpu.memory_space<semaphore_mem>> -> memref<1x!tpu.dma_semaphore, #tpu.memory_space<semaphore_mem>>
      %dma_wait3A_148 = tpu.memref_squeeze %dma_wait3A_147 : memref<1x!tpu.dma_semaphore, #tpu.memory_space<semaphore_mem>> -> memref<!tpu.dma_semaphore, #tpu.memory_space<semaphore_mem>>
      %dma_wait3A_149 = arith.constant 0 : i32
      %dma_wait3A_150 = arith.constant 0 : i32
      %dma_wait3A_151 = tpu.memref_slice %arg4[%dma_wait3A_149, %dma_wait3A_150] : memref<100000x128xf32, #tpu.memory_space<hbm>> -> memref<128x128xf32, #tpu.memory_space<hbm>>
      tpu.wait_dma2 semaphore(%dma_wait3A_148 : memref<!tpu.dma_semaphore, #tpu.memory_space<semaphore_mem>>) src(%arg11 : memref<128x128xf32, #tpu.memory_space<vmem>>) dst(%dma_wait3A_151 : memref<128x128xf32, #tpu.memory_space<hbm>>)
      %dma_wait3A_152 = arith.constant 4 : i32
      %dma_wait3A_153 = arith.constant 0 : i32
      %dma_wait3A_154 = arith.constant 0 : i32
      %dma_wait3A_155 = tpu.memref_slice %arg5[%dma_wait3A_153, %dma_wait3A_154] : memref<100000x128xf32, #tpu.memory_space<hbm>> -> memref<128x128xf32, #tpu.memory_space<hbm>>
      %dma_wait3A_156 = tpu.memref_slice %arg16[%dma_wait3A_152] : memref<6x!tpu.dma_semaphore, #tpu.memory_space<semaphore_mem>> -> memref<1x!tpu.dma_semaphore, #tpu.memory_space<semaphore_mem>>
      %dma_wait3A_157 = tpu.memref_squeeze %dma_wait3A_156 : memref<1x!tpu.dma_semaphore, #tpu.memory_space<semaphore_mem>> -> memref<!tpu.dma_semaphore, #tpu.memory_space<semaphore_mem>>
      %dma_wait3A_158 = arith.constant 0 : i32
      %dma_wait3A_159 = arith.constant 0 : i32
      %dma_wait3A_160 = tpu.memref_slice %arg5[%dma_wait3A_158, %dma_wait3A_159] : memref<100000x128xf32, #tpu.memory_space<hbm>> -> memref<128x128xf32, #tpu.memory_space<hbm>>
      tpu.wait_dma2 semaphore(%dma_wait3A_157 : memref<!tpu.dma_semaphore, #tpu.memory_space<semaphore_mem>>) src(%arg11 : memref<128x128xf32, #tpu.memory_space<vmem>>) dst(%dma_wait3A_160 : memref<128x128xf32, #tpu.memory_space<hbm>>)
      %dma_wait3A_161 = arith.constant 5 : i32
      %dma_wait3A_162 = arith.constant 0 : i32
      %dma_wait3A_163 = arith.constant 0 : i32
      %dma_wait3A_164 = tpu.memref_slice %arg4[%dma_wait3A_162, %dma_wait3A_163] : memref<100000x128xf32, #tpu.memory_space<hbm>> -> memref<128x128xf32, #tpu.memory_space<hbm>>
      %dma_wait3A_165 = tpu.memref_slice %arg15[%dma_wait3A_161] : memref<6x!tpu.dma_semaphore, #tpu.memory_space<semaphore_mem>> -> memref<1x!tpu.dma_semaphore, #tpu.memory_space<semaphore_mem>>
      %dma_wait3A_166 = tpu.memref_squeeze %dma_wait3A_165 : memref<1x!tpu.dma_semaphore, #tpu.memory_space<semaphore_mem>> -> memref<!tpu.dma_semaphore, #tpu.memory_space<semaphore_mem>>
      %dma_wait3A_167 = arith.constant 0 : i32
      %dma_wait3A_168 = arith.constant 0 : i32
      %dma_wait3A_169 = tpu.memref_slice %arg4[%dma_wait3A_167, %dma_wait3A_168] : memref<100000x128xf32, #tpu.memory_space<hbm>> -> memref<128x128xf32, #tpu.memory_space<hbm>>
      tpu.wait_dma2 semaphore(%dma_wait3A_166 : memref<!tpu.dma_semaphore, #tpu.memory_space<semaphore_mem>>) src(%arg12 : memref<128x128xf32, #tpu.memory_space<vmem>>) dst(%dma_wait3A_169 : memref<128x128xf32, #tpu.memory_space<hbm>>)
      %dma_wait3A_170 = arith.constant 5 : i32
      %dma_wait3A_171 = arith.constant 0 : i32
      %dma_wait3A_172 = arith.constant 0 : i32
      %dma_wait3A_173 = tpu.memref_slice %arg5[%dma_wait3A_171, %dma_wait3A_172] : memref<100000x128xf32, #tpu.memory_space<hbm>> -> memref<128x128xf32, #tpu.memory_space<hbm>>
      %dma_wait3A_174 = tpu.memref_slice %arg16[%dma_wait3A_170] : memref<6x!tpu.dma_semaphore, #tpu.memory_space<semaphore_mem>> -> memref<1x!tpu.dma_semaphore, #tpu.memory_space<semaphore_mem>>
      %dma_wait3A_175 = tpu.memref_squeeze %dma_wait3A_174 : memref<1x!tpu.dma_semaphore, #tpu.memory_space<semaphore_mem>> -> memref<!tpu.dma_semaphore, #tpu.memory_space<semaphore_mem>>
      %dma_wait3A_176 = arith.constant 0 : i32
      %dma_wait3A_177 = arith.constant 0 : i32
      %dma_wait3A_178 = tpu.memref_slice %arg5[%dma_wait3A_176, %dma_wait3A_177] : memref<100000x128xf32, #tpu.memory_space<hbm>> -> memref<128x128xf32, #tpu.memory_space<hbm>>
      tpu.wait_dma2 semaphore(%dma_wait3A_175 : memref<!tpu.dma_semaphore, #tpu.memory_space<semaphore_mem>>) src(%arg12 : memref<128x128xf32, #tpu.memory_space<vmem>>) dst(%dma_wait3A_178 : memref<128x128xf32, #tpu.memory_space<hbm>>)
    } else {
    }
    %eq3A_67 = arith.constant 31 : i32
    %eq3A_68 = arith.cmpi eq, %add3A, %eq3A_67 : i32
    %convert_element_type3A_69 = arith.extui %eq3A_68 : i1 to i32
    %cond3A_70 = arith.constant 0 : i32
    %cond3A_71 = arith.cmpi ne, %convert_element_type3A_69, %cond3A_70 : i32
    scf.if %cond3A_71 {
      %dma_start3A_72 = arith.constant 0 : i32
      %dma_start3A_73 = arith.constant 0 : i32
      %dma_start3A_74 = arith.constant 0 : i32
      %dma_start3A_75 = tpu.memref_slice %arg13[%dma_start3A_73, %dma_start3A_74] : memref<32x128xf32, #tpu.memory_space<vmem>> -> memref<32x128xf32, #tpu.memory_space<vmem>>
      %dma_start3A_76 = arith.constant 3072 : i32
      %dma_start3A_77 = tpu.memref_slice %arg6[%dma_start3A_76] : memref<3200xi32, #tpu.memory_space<vmem>> -> memref<32xi32, #tpu.memory_space<vmem>>
      %dma_start3A_78 = arith.constant 0 : i32
      %dma_start3A_79 = arith.constant 0 : i32
      %dma_start3A_80 = tpu.memref_slice %arg17[%dma_start3A_78, %dma_start3A_79] : memref<120x128xf32, #tpu.memory_space<vmem_shared>> -> memref<120x128xf32, #tpu.memory_space<vmem_shared>>
      %dma_start3A_81 = tpu.memref_slice %arg14[%dma_start3A_72] : memref<6x!tpu.dma_semaphore, #tpu.memory_space<semaphore_mem>> -> memref<1x!tpu.dma_semaphore, #tpu.memory_space<semaphore_mem>>
      %dma_start3A_82 = tpu.memref_squeeze %dma_start3A_81 : memref<1x!tpu.dma_semaphore, #tpu.memory_space<semaphore_mem>> -> memref<!tpu.dma_semaphore, #tpu.memory_space<semaphore_mem>>
      tpu.enqueue_indirect_dma source(%dma_start3A_80 : memref<120x128xf32, #tpu.memory_space<vmem_shared>>) target(%dma_start3A_75 : memref<32x128xf32, #tpu.memory_space<vmem>>) offsets(%dma_start3A_77 : memref<32xi32, #tpu.memory_space<vmem>>) semaphore(%dma_start3A_82 : memref<!tpu.dma_semaphore, #tpu.memory_space<semaphore_mem>>)
      %dma_wait3A = arith.constant 0 : i32
      %dma_wait3A_83 = arith.constant 0 : i32
      %dma_wait3A_84 = arith.constant 0 : i32
      %dma_wait3A_85 = tpu.memref_slice %arg13[%dma_wait3A_83, %dma_wait3A_84] : memref<32x128xf32, #tpu.memory_space<vmem>> -> memref<32x128xf32, #tpu.memory_space<vmem>>
      %dma_wait3A_86 = arith.constant 3072 : i32
      %dma_wait3A_87 = tpu.memref_slice %arg6[%dma_wait3A_86] : memref<3200xi32, #tpu.memory_space<vmem>> -> memref<32xi32, #tpu.memory_space<vmem>>
      %dma_wait3A_88 = arith.constant 0 : i32
      %dma_wait3A_89 = arith.constant 0 : i32
      %dma_wait3A_90 = tpu.memref_slice %arg17[%dma_wait3A_88, %dma_wait3A_89] : memref<120x128xf32, #tpu.memory_space<vmem_shared>> -> memref<120x128xf32, #tpu.memory_space<vmem_shared>>
      %dma_wait3A_91 = tpu.memref_slice %arg14[%dma_wait3A] : memref<6x!tpu.dma_semaphore, #tpu.memory_space<semaphore_mem>> -> memref<1x!tpu.dma_semaphore, #tpu.memory_space<semaphore_mem>>
      %dma_wait3A_92 = tpu.memref_squeeze %dma_wait3A_91 : memref<1x!tpu.dma_semaphore, #tpu.memory_space<semaphore_mem>> -> memref<!tpu.dma_semaphore, #tpu.memory_space<semaphore_mem>>
      tpu.wait_indirect_dma semaphore(%dma_wait3A_92 : memref<!tpu.dma_semaphore, #tpu.memory_space<semaphore_mem>>) src(%dma_wait3A_90 : memref<120x128xf32, #tpu.memory_space<vmem_shared>>) dst(%dma_wait3A_85 : memref<32x128xf32, #tpu.memory_space<vmem>>)
      "tpu.region"() ({
        %run_scoped3A = tpu.sem_alloc : memref<!tpu.dma_semaphore, #tpu.memory_space<semaphore_mem>>
        %dma_start3A_93 = arith.constant 0 : i32
        %dma_start3A_94 = arith.constant 0 : i32
        %dma_start3A_95 = tpu.memref_slice %arg13[%dma_start3A_93, %dma_start3A_94] : memref<32x128xf32, #tpu.memory_space<vmem>> -> memref<32x128xf32, #tpu.memory_space<vmem>>
        %dma_start3A_96 = arith.constant 99968 : i32
        %dma_start3A_97 = arith.constant 0 : i32
        %dma_start3A_98 = tpu.memref_slice %arg4[%dma_start3A_96, %dma_start3A_97] : memref<100000x128xf32, #tpu.memory_space<hbm>> -> memref<32x128xf32, #tpu.memory_space<hbm>>
        %dma_start3A_99 = arith.constant 99968 : i32
        %dma_start3A_100 = arith.constant 0 : i32
        %dma_start3A_101 = tpu.memref_slice %arg4[%dma_start3A_99, %dma_start3A_100] : memref<100000x128xf32, #tpu.memory_space<hbm>> -> memref<32x128xf32, #tpu.memory_space<hbm>>
        %dma_start3A_102 = arith.constant 0 : i32
        %dma_start3A_103 = arith.constant 0 : i32
        %dma_start3A_104 = tpu.memref_slice %arg13[%dma_start3A_102, %dma_start3A_103] : memref<32x128xf32, #tpu.memory_space<vmem>> -> memref<32x128xf32, #tpu.memory_space<vmem>>
        tpu.enqueue_dma source(%dma_start3A_104 : memref<32x128xf32, #tpu.memory_space<vmem>>) target(%dma_start3A_101 : memref<32x128xf32, #tpu.memory_space<hbm>>) target_semaphore(%run_scoped3A : memref<!tpu.dma_semaphore, #tpu.memory_space<semaphore_mem>>)
        %dma_wait3A_105 = arith.constant 0 : i32
        %dma_wait3A_106 = arith.constant 0 : i32
        %dma_wait3A_107 = tpu.memref_slice %arg13[%dma_wait3A_105, %dma_wait3A_106] : memref<32x128xf32, #tpu.memory_space<vmem>> -> memref<32x128xf32, #tpu.memory_space<vmem>>
        %dma_wait3A_108 = arith.constant 99968 : i32
        %dma_wait3A_109 = arith.constant 0 : i32
        %dma_wait3A_110 = tpu.memref_slice %arg4[%dma_wait3A_108, %dma_wait3A_109] : memref<100000x128xf32, #tpu.memory_space<hbm>> -> memref<32x128xf32, #tpu.memory_space<hbm>>
        %dma_wait3A_111 = arith.constant 99968 : i32
        %dma_wait3A_112 = arith.constant 0 : i32
        %dma_wait3A_113 = tpu.memref_slice %arg4[%dma_wait3A_111, %dma_wait3A_112] : memref<100000x128xf32, #tpu.memory_space<hbm>> -> memref<32x128xf32, #tpu.memory_space<hbm>>
        %dma_wait3A_114 = arith.constant 0 : i32
        %dma_wait3A_115 = arith.constant 0 : i32
        %dma_wait3A_116 = tpu.memref_slice %arg13[%dma_wait3A_114, %dma_wait3A_115] : memref<32x128xf32, #tpu.memory_space<vmem>> -> memref<32x128xf32, #tpu.memory_space<vmem>>
        tpu.wait_dma2 semaphore(%run_scoped3A : memref<!tpu.dma_semaphore, #tpu.memory_space<semaphore_mem>>) src(%dma_wait3A_116 : memref<32x128xf32, #tpu.memory_space<vmem>>) dst(%dma_wait3A_113 : memref<32x128xf32, #tpu.memory_space<hbm>>)
        tpu.yield
      }) : () -> ()
      "tpu.region"() ({
        %run_scoped3A = tpu.sem_alloc : memref<!tpu.dma_semaphore, #tpu.memory_space<semaphore_mem>>
        %dma_start3A_93 = arith.constant 0 : i32
        %dma_start3A_94 = arith.constant 0 : i32
        %dma_start3A_95 = tpu.memref_slice %arg13[%dma_start3A_93, %dma_start3A_94] : memref<32x128xf32, #tpu.memory_space<vmem>> -> memref<32x128xf32, #tpu.memory_space<vmem>>
        %dma_start3A_96 = arith.constant 99968 : i32
        %dma_start3A_97 = arith.constant 0 : i32
        %dma_start3A_98 = tpu.memref_slice %arg5[%dma_start3A_96, %dma_start3A_97] : memref<100000x128xf32, #tpu.memory_space<hbm>> -> memref<32x128xf32, #tpu.memory_space<hbm>>
        %dma_start3A_99 = arith.constant 99968 : i32
        %dma_start3A_100 = arith.constant 0 : i32
        %dma_start3A_101 = tpu.memref_slice %arg5[%dma_start3A_99, %dma_start3A_100] : memref<100000x128xf32, #tpu.memory_space<hbm>> -> memref<32x128xf32, #tpu.memory_space<hbm>>
        %dma_start3A_102 = arith.constant 0 : i32
        %dma_start3A_103 = arith.constant 0 : i32
        %dma_start3A_104 = tpu.memref_slice %arg13[%dma_start3A_102, %dma_start3A_103] : memref<32x128xf32, #tpu.memory_space<vmem>> -> memref<32x128xf32, #tpu.memory_space<vmem>>
        tpu.enqueue_dma source(%dma_start3A_104 : memref<32x128xf32, #tpu.memory_space<vmem>>) target(%dma_start3A_101 : memref<32x128xf32, #tpu.memory_space<hbm>>) target_semaphore(%run_scoped3A : memref<!tpu.dma_semaphore, #tpu.memory_space<semaphore_mem>>)
        %dma_wait3A_105 = arith.constant 0 : i32
        %dma_wait3A_106 = arith.constant 0 : i32
        %dma_wait3A_107 = tpu.memref_slice %arg13[%dma_wait3A_105, %dma_wait3A_106] : memref<32x128xf32, #tpu.memory_space<vmem>> -> memref<32x128xf32, #tpu.memory_space<vmem>>
        %dma_wait3A_108 = arith.constant 99968 : i32
        %dma_wait3A_109 = arith.constant 0 : i32
        %dma_wait3A_110 = tpu.memref_slice %arg5[%dma_wait3A_108, %dma_wait3A_109] : memref<100000x128xf32, #tpu.memory_space<hbm>> -> memref<32x128xf32, #tpu.memory_space<hbm>>
        %dma_wait3A_111 = arith.constant 99968 : i32
        %dma_wait3A_112 = arith.constant 0 : i32
        %dma_wait3A_113 = tpu.memref_slice %arg5[%dma_wait3A_111, %dma_wait3A_112] : memref<100000x128xf32, #tpu.memory_space<hbm>> -> memref<32x128xf32, #tpu.memory_space<hbm>>
        %dma_wait3A_114 = arith.constant 0 : i32
        %dma_wait3A_115 = arith.constant 0 : i32
        %dma_wait3A_116 = tpu.memref_slice %arg13[%dma_wait3A_114, %dma_wait3A_115] : memref<32x128xf32, #tpu.memory_space<vmem>> -> memref<32x128xf32, #tpu.memory_space<vmem>>
        tpu.wait_dma2 semaphore(%run_scoped3A : memref<!tpu.dma_semaphore, #tpu.memory_space<semaphore_mem>>) src(%dma_wait3A_116 : memref<32x128xf32, #tpu.memory_space<vmem>>) dst(%dma_wait3A_113 : memref<32x128xf32, #tpu.memory_space<hbm>>)
        tpu.yield
      }) : () -> ()
    } else {
    }
    return
  }
}

</mosaic_0001>

<sc_bundles>
// kernel: kernel.3.cloned.1.call-start
scs
__scs_entry_jumppad:
0x0: {  	(pc) =	sbr.rel $0x88, $3  }
0x1: {  	(tag) =	ssettag $0x0;
	lr =	simm.s32 $0x1  }
0x2: {  	[smem:$0x3F9F] =	sst lr;
	_ =	strace $0xD0000000  }
0x3: {  	_ = 	snop  }
0x4: {  	_ = 	snop  }
0x5: {  	_ = 	snop  }
0x6: {  	_ = 	snop  }
0x7: {  	_ = 	snop  }
__scs_overlays_trampoline_lowered:
0x8: {  	[smem:$0x3FAE] =	sst s0  }
0x9: {  	[smem:$0x3FAF] =	sst s1  }
0xa: {  	[smem:$0x3FB0] =	sst s2  }
0xb: {  	[smem:$0x3FB1] =	sst s3  }
0xc: {  	[smem:$0x3FB2] =	sst s4  }
0xd: {  	[smem:$0x3FB3] =	sst s5  }
0xe: {  	[smem:$0x3FB4] =	sst s6  }
0xf: {  	[smem:$0x3FB5] =	sst s7  }
0x10: {  	[smem:$0x3FB6] =	sst s8  }
0x11: {  	[smem:$0x3FB7] =	sst s9;
	s0 =	simm.s32 @!p0 $0x0  }
0x12: {  	s1 =	sld [smem:$0x3F9D];
	s0 =	simm.s32 @p0 $0x1  }
0x13: {  	[smem:$0x3FB8] =	sst s0;
	s0 =	simm.s32 @!p1 $0x0  }
0x14: {  	s2 =	sld [smem:$0x3F9C];
	s0 =	simm.s32 @p1 $0x1  }
0x15: {  	[smem:$0x3FB9] =	sst s0;
	s0 =	simm.s32 @!p2 $0x0  }
0x16: {  	s3 =	sld [smem:$0x3FDB];
	s0 =	simm.s32 @p2 $0x1  }
0x17: {  	s4 =	simm.s32 $0x1BF5;
	[smem:$0x3FBB] =	sst s0  }
0x18: {  	s0 =	sld [smem:$0x3F9E];
	_ =	swait.ge [sflag:s4], $0x0  }
0x19: {  	s7 =	sld [smem:$0x3F9F]  }
0x1a: {  	s8 =	sadd.s32 $0xFFFFE003, lr  }
0x1b: {  	s9 =	sadd.s32 $0xFFFFFEF7, lr;
	s5 =	simm.s32 $0xFFFFFFFF;
	p2 =	slt.u32 s8, $0xFFFFF086  }
0x1c: {  	p1 =	slt.u32 s9, $0xF7A;
	s5 =	simm.s32 @!p2 $0x0  }
0x1d: {  	s5 =	simm.s32 @p1 $0x1;
	p0 =	seq.s32 s7, s2  }
0x1e: {  	s7 =	smul.u32 @!p0 $0xF7A, s2;
	p2 =	seq.s32 @!p0 s5, $0x0  }
0x1f: {  	s9 =	smul.u32 $0xF7A, s1;
	s8 =	simm.s32 @!p0 $0x1BF5;
	p2 =	por !p2, p0  }
0x20: {  	[sflag:s8] =	ssyncset.s32 @!p0 $0xFFFFF086;
	s6 =	sadd.s32 @!p0 s3, s7;
	s7 =	simm.s32 @!p0 $0x108  }
0x21: {  	s3 =	sadd.s32 s3, s9;
	s6 =	sadd.s32 @!p0 $0x88, s6;
	s7 =	simm.s32 @p2 $0x1082  }
0x22: {  	[simem:s7], [sflag:s8] =	dma.local @!p0 [hbm:s6], $0xF7A  }
0x23: {  	s9 =	sor.u32 $0xD0000000, s2;
	s6 =	simm.s32 $0x108;
	_ =	swait.ge @!p0 [sflag:s8], $0x0  }
0x24: {  	s3 =	sadd.s32 $0x88, s3;
	s6 =	simm.s32 @!p1 $0x1082;
	[sflag:s4] =	ssyncset.s32 $0xFFFFF086  }
0x25: {  	[simem:s6], [sflag:s4] =	dma.local [hbm:s3], $0xF7A  }
0x26: {  	[smem:$0x3F9F] =	sst s1;
	(tag) =	ssettag s2;
	_ =	strace s9  }
0x27: {  	s1 =	sld [smem:$0x3FAF]  }
0x28: {  	s2 =	sld [smem:$0x3FB0]  }
0x29: {  	s4 =	sld [smem:$0x3FB2]  }
0x2a: {  	p0 =	seq.s32 s5, $0x0;
	s5 =	sld [smem:$0x3FB3]  }
0x2b: {  	s6 =	sld [smem:$0x3FB4]  }
0x2c: {  	s7 =	sld [smem:$0x3FB5]  }
0x2d: {  	s3 =	simm.s32 $0x108;
	s8 =	sld [smem:$0x3FB6]  }
0x2e: {  	s3 =	simm.s32 @!p0 $0x1082;
	s9 =	sld [smem:$0x3FB7]  }
0x2f: {  	lr =	sadd.s32 s0, s3;
	s0 =	sld [smem:$0x3FAE]  }
0x30: {  	s3 =	sld [smem:$0x3FB1]  }
0x31: {  	[smem:$0x3FBA] =	sst s10  }
0x32: {  	s10 =	sld [smem:$0x3FB8];
	_ =	sdelay $0x3  }
0x33: {  	p0 =	seq.s32 s10, $0x1;
	s10 =	sld [smem:$0x3FBA];
	_ =	sdelay $0x3  }
0x34: {  	[smem:$0x3FBA] =	sst s10  }
0x35: {  	s10 =	sld [smem:$0x3FB9];
	_ =	sdelay $0x3  }
0x36: {  	p1 =	seq.s32 s10, $0x1;
	s10 =	sld [smem:$0x3FBA];
	_ =	sdelay $0x3  }
0x37: {  	[smem:$0x3FBA] =	sst s10  }
0x38: {  	s10 =	sld [smem:$0x3FBB]  }
0x39: {  	_ = 	snop;
	(pc) =	sbr.ind lr, $3  }
0x3a: {  	_ = 	snop  }
0x3b: {  	_ = 	snop  }
0x3c: {  	p2 =	seq.s32 s10, $0x1;
	s10 =	sld [smem:$0x3FBA]  }
0x3d: {  	_ =	shalt  }
0x3e: {  	_ =	shalt  }
0x3f: {  	_ =	shalt  }
0x40: {  	_ =	shalt  }
0x41: {  	_ =	shalt  }
0x42: {  	_ =	shalt  }
0x43: {  	_ =	shalt  }
0x44: {  	_ =	shalt  }
0x45: {  	_ =	shalt  }
0x46: {  	_ =	shalt  }
0x47: {  	_ =	shalt  }
0x48: {  	_ =	shalt  }
0x49: {  	_ =	shalt  }
0x4a: {  	_ =	shalt  }
0x4b: {  	_ =	shalt  }
0x4c: {  	_ =	shalt  }
0x4d: {  	_ =	shalt  }
0x4e: {  	_ =	shalt  }
0x4f: {  	_ =	shalt  }
0x50: {  	_ =	shalt  }
0x51: {  	_ =	shalt  }
0x52: {  	_ =	shalt  }
0x53: {  	_ =	shalt  }
0x54: {  	_ =	shalt  }
0x55: {  	_ =	shalt  }
0x56: {  	_ =	shalt  }
0x57: {  	_ =	shalt  }
0x58: {  	_ =	shalt  }
0x59: {  	_ =	shalt  }
0x5a: {  	_ =	shalt  }
0x5b: {  	_ =	shalt  }
0x5c: {  	_ =	shalt  }
0x5d: {  	_ =	shalt  }
0x5e: {  	_ =	shalt  }
0x5f: {  	_ =	shalt  }
0x60: {  	_ =	shalt  }
0x61: {  	_ =	shalt  }
0x62: {  	_ =	shalt  }
0x63: {  	_ =	shalt  }
0x64: {  	_ =	shalt  }
0x65: {  	_ =	shalt  }
0x66: {  	_ =	shalt  }
0x67: {  	_ =	shalt  }
0x68: {  	_ =	shalt  }
0x69: {  	_ =	shalt  }
0x6a: {  	_ =	shalt  }
0x6b: {  	_ =	shalt  }
0x6c: {  	_ =	shalt  }
0x6d: {  	_ =	shalt  }
0x6e: {  	_ =	shalt  }
0x6f: {  	_ =	shalt  }
0x70: {  	_ =	shalt  }
0x71: {  	_ =	shalt  }
0x72: {  	_ =	shalt  }
0x73: {  	_ =	shalt  }
0x74: {  	_ =	shalt  }
0x75: {  	_ =	shalt  }
0x76: {  	_ =	shalt  }
0x77: {  	_ =	shalt  }
0x78: {  	_ =	shalt  }
0x79: {  	_ =	shalt  }
0x7a: {  	_ =	shalt  }
0x7b: {  	_ =	shalt  }
0x7c: {  	_ =	shalt  }
0x7d: {  	_ =	shalt  }
0x7e: {  	_ =	shalt  }
0x7f: {  	_ =	shalt  }
0x80: {  	_ =	shalt  }
0x81: {  	_ =	shalt  }
0x82: {  	_ =	shalt  }
0x83: {  	_ =	shalt  }
0x84: {  	_ =	shalt  }
0x85: {  	_ =	shalt  }
0x86: {  	_ =	shalt  }
0x87: {  	_ =	shalt  }
.Lfunc_end0:
.L_simem_size_0:
called_computation_lowered:
.L_overlay_start_0:
0x88: {  	s2 =	sld [smem:$0x3FD9]  }
0x89: {  	s3 =	sld [smem:$0x3FFE];
	_ =	sdelay $0x1  }
0x8a: {  	s1 =	srdreg.scid  }
0x8b: {  	s0 =	sand.u32 $0x1, s1  }
0x8c: {  	s14 =	sshll.u32 s0, $0xA;
	s2 =	sadd.s32 s3, s2  }
0x8d: {  	s2 =	sadd.s32 s2, s14  }
0x8e: {  	[smem:$0x3FC6] =	sst s2  }
0x8f: {  	_ = 	snop  }
0x90: {  	s2 =	sld [smem:$0x3FD0];
	_ =	sdelay $0x2  }
0x91: {  	s4 =	simm.s32 $0xA;
	s5 =	simm.s32 $0x10;
	s15 =	sld [smem:$0x3FC8]  }
0x92: {  	[smem:s5], [sflag:s4] =	dma.local [hbm:s2], $0x1  }
0x93: {  	_ =	swait.eq [sflag:s4], $0x1  }
0x94: {  	[sflag:s4] =	ssyncset.done $0x0  }
0x95: {  	s16 =	sld [smem:$0x10];
	[sflag:s4] =	ssyncadd.s32 $0xFFFFFFFF  }
0x96: {  	s17 =	sld [smem:$0x11];
	(tm) =	ssettm $0x1  }
0x97: {  	s18 =	sld [smem:$0x3FFB];
	_ =	sdelay $0x3  }
0x98: {  	_ =	strace s18  }
0x99: {  	s5 =	sld [smem:$0x3FFC];
	_ =	sdelay $0x3  }
0x9a: {  	_ =	strace s5  }
0x9b: {  	s5 =	sld [smem:$0x3FFD];
	_ =	sdelay $0x3  }
0x9c: {  	_ =	strace s5  }
0x9d: {  	_ =	strace $0x8FFFFFFF  }
0x9e: {  	s19 =	sld [smem:$0x3FDB];
	_ =	sdelay $0x1  }
0x9f: {  	s6 =	simm.s32 $_scs_section_size  }
0xa0: {  	s7 =	simm.s32 $_size__tile_overlayer_lowered;
	s8 =	simm.s32 $_tile_overlayer_lowered  }
0xa1: {  	s22 =	simm.s32 $0x1BFF;
	s21 =	sshll.u32 s8, $0x1;
	s5 =	sadd.s32 s6, s19  }
0xa2: {  	s9 =	simm.s32 $0x0;
	s20 =	sshll.u32 s7, $0x1;
	s7 =	sadd.s32 s21, s5  }
0xa3: {  	[timem:s9], [sflag:s22] =	dma.local [hbm:s7], s20  }
0xa4: {  	_ =	swait.ge [sflag:s22], s20  }
0xa5: {  	s6 =	ssub.s32 $0x0, s20;
	[sflag:s22] =	ssyncset.done $0x0  }
0xa6: {  	[sflag:s22] =	ssyncadd.s32 s6;
	_ =	sdelay $0x1  }
0xa7: {  	s23 =	simm.s32 $0x1B8B  }
0xa8: {  	_ =	swait.ge [sflag:s23], $0x1  }
0xa9: {  	[sflag:s23] =	ssyncset.done $0x0  }
0xaa: {  	s25 =	simm.s32 $0x1B8E;
	s24 =	sld [smem:$0x3FFE];
	[sflag:s23] =	ssyncadd.s32 $0xFFFFFFFF  }
0xab: {  	s26 =	simm.s32 $execute0_lowered;
	[smem:$0x3FD2] =	sst s25  }
0xac: {  	s7 =	sshll.u32 s26, $0x1;
	_ =	strace $0x80000046;
	[dreg:$0x1] =	wrdreg $0xFFFFFFFF  }
0xad: {  	s28 =	simm.s32 $_size_execute0_lowered;
	s5 =	sadd.s32 s5, s7;
	[dreg:$0x0] =	wrdreg $0x0  }
0xae: {  	s7 =	sshll.u32 s28, $0x1;
	[dreg:$0x2] =	wrdreg s5  }
0xaf: {  	[dreg:$0x3] =	wrdreg s7  }
0xb0: {  	[dreg:$0x4] =	wrdreg $0xC0  }
0xb1: {  	_ =	task [dreg:s9], $0x5FFFF  }
0xb2: {  	[dreg:$0x1] =	wrdreg $0xFFFFFFFF  }
0xb3: {  	[dreg:$0x0] =	wrdreg $0x60  }
0xb4: {  	[dreg:$0x2] =	wrdreg s24  }
0xb5: {  	[dreg:$0x3] =	wrdreg s15  }
0xb6: {  	[dreg:$0x4] =	wrdreg s16  }
0xb7: {  	[dreg:$0x5] =	wrdreg s17  }
0xb8: {  	[dreg:$0x6] =	wrdreg $0x19C800  }
0xb9: {  	[dreg:$0x7] =	wrdreg $0x9  }
0xba: {  	_ =	task.clear_ibuf [dreg:s9], $0x8FFFF;
	_ =	strace $0x90000046  }
0xbb: {  	s29 =	simm.s32 $0x9;
	_ =	strace $0x80000048  }
0xbc: {  	_ =	swait.ge [sflag:s29], $0x1  }
0xbd: {  	[sflag:s29] =	ssyncadd.s32 $0xFFFFFFFF  }
0xbe: {  	_ =	strace $0x90000048  }
0xbf: {  	_ =	sfence  }
0xc0: {  	s30 =	sld [smem:$0x0];
	_ =	sdelay $0x2  }
0xc1: {  	s31 =	sshll.u32 s1, $0xD;
	s1 =	sshrl.u32 s1, $0x2  }
0xc2: {  	s3 =	sand.u32 $0x4000, s31;
	s1 =	sadd.s32 s1, s30  }
0xc3: {  	s0 =	sor.u32 s3, s0;
	s1 =	sshll.u32 s1, $0x11  }
0xc4: {  	s0 =	sor.u32 s1, s0  }
0xc5: {  	s0 =	sadd.s32 $0x8F2B, s0  }
0xc6: {  	[sflag:s0] =	ssyncadd.remote.s32 $0x1  }
0xc7: {  	_ =	sfence.sel $0xFFFF  }
0xc8: {  	[dreg:$0x0] =	wrdreg $0xFFFFFFFF;
	(pc) =	sbr.abs _section_cstart, $3  }
0xc9: {  	[dreg:$0x1] =	wrdreg $0xFFFFFFFF  }
0xca: {  	_ =	task.clear_ibuf [dreg:s9], $0x2FFFF;
	_ =	strace $0x9FFFFFFF  }
0xcb: {  	(tm) =	ssettm $0x7FFFFFFF  }
tec
execute0_lowered:
.L_overlay_start_1:
0x0: {  	(tag) =	ssettag $0x1  }
0x1: {  	s1 =	rddreg [dreg:$0x0]  }
0x2: {  	s2 =	srdreg.scid;
	s5 =	rddreg [dreg:$0x2]  }
0x3: {  	s0 =	stileid.u32;
	s6 =	rddreg [dreg:$0x3]  }
0x4: {  	s3 =	simm.s32 $0x0;
	s4 =	sand.u32 $0x1, s2;
	s2 =	rddreg [dreg:$0x4]  }
0x5: {  	s26 =	sshll.u32 s0, $0x1;
	s9 =	smul.u32 $0x30, s0;
	[smem:$0x7FF] =	sst s3  }
0x6: {  	s18 =	sadd.s32 $0x186800, s5;
	s22 =	sadd.s32 $0x186800, s6;
	p4 =	sne.s32 s0, $0x0  }
0x7: {  	s7 =	sor.u32 s4, s26;
	_ =	strace $0x80000047;
	[dreg:$0x15] =	wrdreg s18  }
0x8: {  	s11 =	smul.u32 $0x18, s4;
	s4 =	ssub.s32 $0x2, s4;
	[dreg:$0x16] =	wrdreg s22  }
0x9: {  	s0 =	simm.s32 @!p4 $0x0;
	s18 =	simm.s32 $0x2;
	s22 =	simm.s32 $0x4  }
0xa: {  	s8 =	smul.u32 $0x18, s7;
	s10 =	smin.u32 s7, $0xD;
	s13 =	sshrl.u32 s4, $0x1  }
0xb: {  	p0 =	sgt.u32 s7, $0xC;
	s0 =	simm.s32 @p4 $0x1;
	s9 =	sadd.s32 s11, s9  }
0xc: {  	[smem:$0x7FC] =	sst s0;
	s11 =	simm.s32 $0x80;
	s8 =	sadd.s32 s10, s8  }
0xd: {  	s9 =	sadd.s32 s10, s9;
	s10 =	sadd.s32 $0xFFFFFFF3, s7;
	s12 =	sshll.u32 s8, $0x4  }
0xe: {  	s8 =	sshll.u32 s8, $0xB;
	s9 =	sshll.u32 s9, $0xB;
	p1 =	sgt.u32 @p0 s10, $0x11  }
0xf: {  	s28 =	sadd.s32 s12, s1;
	s8 =	sadd.s32 $0xC000, s8;
	s1 =	sadd.s32 $0x3150, s1  }
0x10: {  	s29 =	sadd.s32 $0x1000, s9;
	[dreg:$0x12] =	wrdreg s1;
	s30 =	sadd.s32 s5, s8  }
0x11: {  	s12 =	ssub.s32 s4, s13;
	s31 =	sadd.s32 s29, s5;
	[dreg:$0x13] =	wrdreg s30  }
0x12: {  	s14 =	sadd.s32 $0x800, s9;
	s8 =	sadd.s32 s6, s8;
	[dreg:$0x6] =	wrdreg s31  }
0x13: {  	s17 =	sadd.s32 $0x2800, s9;
	s13 =	sadd.s32 s29, s6;
	[dreg:$0x14] =	wrdreg s8  }
0x14: {  	s21 =	sadd.s32 $0x2000, s9;
	s15 =	sadd.s32 s14, s5;
	[dreg:$0x7] =	wrdreg s13  }
0x15: {  	s25 =	sadd.s32 $0x1800, s9;
	s16 =	sadd.s32 s14, s6;
	[dreg:$0x8] =	wrdreg s15  }
0x16: {  	p2 =	por !p1, !p0;
	s19 =	sadd.s32 s17, s5;
	[dreg:$0x9] =	wrdreg s16  }
0x17: {  	p5 =	por p1, !p0;
	s20 =	sadd.s32 s17, s6;
	[dreg:$0xa] =	wrdreg s19  }
0x18: {  	s4 =	sadd.s32 $0x200, s28;
	s23 =	sadd.s32 s21, s5;
	[dreg:$0xb] =	wrdreg s20  }
0x19: {  	s24 =	sadd.s32 s21, s6;
	s26 =	sadd.s32 s25, s5;
	[dreg:$0xc] =	wrdreg s23  }
0x1a: {  	s28 =	sadd.s32 s25, s6;
	s29 =	sadd.s32 s9, s5;
	[dreg:$0xd] =	wrdreg s24  }
0x1b: {  	s5 =	simm.s32 @!p2 $0x0;
	s17 =	simm.s32 $0xCC80;
	[dreg:$0xe] =	wrdreg s26  }
0x1c: {  	s21 =	simm.s32 $0x14C80;
	s1 =	simm.s32 $0xB;
	[dreg:$0xf] =	wrdreg s28  }
0x1d: {  	s14 =	simm.s32 $0xC;
	[dreg:$0x10] =	wrdreg s29;
	s30 =	sadd.s32 s9, s6  }
0x1e: {  	s5 =	simm.s32 @p2 $0x1;
	p2 =	sne.s32 @!p2 s7, $0x1F;
	s31 =	smax.u32 s12, $0x1  }
0x1f: {  	s12 =	simm.s32 $0xC80;
	s13 =	simm.s32 $0x4C80;
	s15 =	simm.s32 $0x8C80  }
0x20: {  	s16 =	simm.s32 $0x1;
	s19 =	simm.s32 $0x10C80;
	s20 =	simm.s32 $0x3  }
0x21: {  	s23 =	simm.s32 $0x5;
	p3 =	por @p0 p2, !p1;
	p2 =	por @p0 !p2, !p1  }
0x22: {  	s24 =	simm.s32 $0x6;
	[smem:$0x7FB] =	sst s5;
	p2 =	por !p2, !p0  }
0x23: {  	s6 =	simm.s32 $0x0;
	[dreg:$0x17] =	wrdreg s31;
	s0 =	simm.s32 @!p2 $0x0  }
0x24: {  	[dreg:$0x11] =	wrdreg s30;
	s5 =	simm.s32 $0x12;
	s0 =	simm.s32 @p2 $0x1  }
0x25: {  	p3 =	por p3, !p0;
	[smem:$0x7FD] =	sst s0;
	s0 =	simm.s32 $0x11  }
.LBB2_1:
0x26: {  	s7 =	sld [smem:$0x7FC];
	_ =	sdelay $0x2  }
0x27: {  	p1 =	seq.s32 s7, $0x1  }
0x28: {  	s9 =	rddreg [dreg:$0x1];
	s7 =	sshrl.u32 @!p1 s2, $0x3;
	s8 =	simm.s32 @!p1 $0x1C13  }
0x29: {  	[spmem:s7], [sflag:s8] =	dma.local @!p1 [hbm:s9], $0x780  }
0x2a: {  	s7 =	simm.s32 @!p1 $0x13  }
0x2b: {  	_ =	swait.ge @!p1 [sflag:s7], $0x780  }
0x2c: {  	[sflag:s7] =	ssyncset.done @!p1 $0x0  }
0x2d: {  	s8 =	rddreg [dreg:$0x12];
	[sflag:s7] =	ssyncadd.s32 @!p1 $0xFFFFF880;
	s7 =	simm.s32 @!p3 $0x0  }
0x2e: {  	[tilespmem:s7], [sflag:$0x13] =	stream.linear.gather @!p3 [hbm4b:s8+s7], $0xC20, $0x38;
	[tilespmem:$0x1A040] =	vst v63  }
0x2f: {  	s7 =	simm.s32 @!p3 $0x13  }
0x30: {  	_ =	swait.ge @!p3 [sflag:s7], $0xC20  }
0x31: {  	[sflag:s7] =	ssyncset.done @!p3 $0x0  }
0x32: {  	[sflag:s7] =	ssyncadd.s32 @!p3 $0xFFFFF3E0;
	s7 =	simm.s32 @!p5 $0x0  }
0x33: {  	[tilespmem:s7], [sflag:$0x13] =	stream.linear.gather @!p5 [hbm4b:s4+s7], $0xC00, $0x38;
	[tilespmem:$0x1A040] =	vst v63  }
0x34: {  	s7 =	simm.s32 @!p5 $0x13  }
0x35: {  	_ =	swait.ge @!p5 [sflag:s7], $0xC00  }
0x36: {  	[sflag:s7] =	ssyncset.done @!p5 $0x0  }
0x37: {  	[sflag:s7] =	ssyncadd.s32 @!p5 $0xFFFFF400;
	s7 =	simm.s32 @!p0 $0x0  }
0x38: {  	[tilespmem:s7], [sflag:$0x13] =	stream.linear.gather @!p0 [hbm4b:s4+s7], $0xC80, $0x38;
	[tilespmem:$0x1A040] =	vst v63  }
0x39: {  	s7 =	simm.s32 @!p0 $0x13  }
0x3a: {  	_ =	swait.ge @!p0 [sflag:s7], $0xC80  }
0x3b: {  	[sflag:s7] =	ssyncset.done @!p0 $0x0  }
0x3c: {  	[sflag:s7] =	ssyncadd.s32 @!p0 $0xFFFFF380  }
0x3d: {  	[bflag:$0x0] =	sbarrier.arrive $0xFFFF  }
0x3e: {  	[tilespmem:s12], [sflag:$0x1] =	stream.indirect.gather [spmem:s2], $0x80, s3, s11, $0xb8;
	[tilespmem:$0x1A040] =	vst v63  }
0x3f: {  	_ = 	snop  }
0x40: {  	[tilespmem:s13], [sflag:$0x2] =	stream.indirect.gather [spmem:s2], $0x80, s11, s11, $0xb8;
	[tilespmem:$0x1A040] =	vst v63  }
0x41: {  	s8 =	simm.s32 $0x100  }
0x42: {  	[tilespmem:s15], [sflag:$0x3] =	stream.indirect.gather [spmem:s2], $0x80, s8, s11, $0xb8;
	[tilespmem:$0x1A040] =	vst v63  }
0x43: {  	_ =	swait.ge [sflag:s16], $0x4000  }
0x44: {  	p1 =	por $0x1, $0x1;
	s9 =	rddreg [dreg:$0x10];
	[sflag:s16] =	ssyncset.done $0x0  }
0x45: {  	s10 =	rddreg [dreg:$0x11];
	[sflag:s16] =	ssyncadd.s32 $0xFFFFC000;
	s7 =	sadd.s32 $0x0, s9  }
0x46: {  	[hbm4b:s7+s3] =	stream.linear.scatter [tilespmem:s12], [sflag:$0x7], $0x4000, $0x38;
	[tilespmem:$0x1A040] =	vst v63  }
0x47: {  	s25 =	sadd.s32 $0x0, s10;
	s7 =	simm.s32 @!p1 $0xA  }
0x48: {  	[hbm4b:s25+s3] =	stream.linear.scatter [tilespmem:s12], [sflag:$0xD], $0x4000, $0x38;
	[tilespmem:$0x1A040] =	vst v63  }
0x49: {  	_ =	swait.ge @!p1 [sflag:s7], $0x4000  }
0x4a: {  	[sflag:s7] =	ssyncset.done @!p1 $0x0  }
0x4b: {  	s8 =	simm.s32 @!p1 $0x10;
	[sflag:s7] =	ssyncadd.s32 @!p1 $0xFFFFC000  }
0x4c: {  	_ =	swait.ge @!p1 [sflag:s8], $0x4000  }
0x4d: {  	[sflag:s8] =	ssyncset.done @!p1 $0x0  }
0x4e: {  	s26 =	simm.s32 $0x180;
	[sflag:s8] =	ssyncadd.s32 @!p1 $0xFFFFC000  }
0x4f: {  	[tilespmem:s17], [sflag:$0x4] =	stream.indirect.gather [spmem:s2], $0x80, s26, s11, $0xb8;
	[tilespmem:$0x1A040] =	vst v63  }
0x50: {  	_ =	swait.ge [sflag:s18], $0x4000  }
0x51: {  	s30 =	rddreg [dreg:$0x8];
	[sflag:s18] =	ssyncset.done $0x0  }
0x52: {  	s31 =	rddreg [dreg:$0x9];
	[sflag:s18] =	ssyncadd.s32 $0xFFFFC000;
	s7 =	sadd.s32 $0x0, s30  }
0x53: {  	[hbm4b:s7+s3] =	stream.linear.scatter [tilespmem:s13], [sflag:$0x8], $0x4000, $0x38;
	[tilespmem:$0x1A040] =	vst v63  }
0x54: {  	s8 =	sadd.s32 $0x0, s31;
	s7 =	simm.s32 @!p1 $0xB  }
0x55: {  	[hbm4b:s8+s3] =	stream.linear.scatter [tilespmem:s13], [sflag:$0xE], $0x4000, $0x38;
	[tilespmem:$0x1A040] =	vst v63  }
0x56: {  	_ =	swait.ge @!p1 [sflag:s7], $0x4000  }
0x57: {  	[sflag:s7] =	ssyncset.done @!p1 $0x0  }
0x58: {  	s8 =	simm.s32 @!p1 $0x11;
	[sflag:s7] =	ssyncadd.s32 @!p1 $0xFFFFC000  }
0x59: {  	_ =	swait.ge @!p1 [sflag:s8], $0x4000  }
0x5a: {  	[sflag:s8] =	ssyncset.done @!p1 $0x0  }
0x5b: {  	s9 =	simm.s32 $0x200;
	[sflag:s8] =	ssyncadd.s32 @!p1 $0xFFFFC000  }
0x5c: {  	[tilespmem:s19], [sflag:$0x5] =	stream.indirect.gather [spmem:s2], $0x80, s9, s11, $0xb8;
	[tilespmem:$0x1A040] =	vst v63  }
0x5d: {  	_ =	swait.ge [sflag:s20], $0x4000  }
0x5e: {  	s10 =	rddreg [dreg:$0x6];
	[sflag:s20] =	ssyncset.done $0x0  }
0x5f: {  	s25 =	rddreg [dreg:$0x7];
	[sflag:s20] =	ssyncadd.s32 $0xFFFFC000;
	s7 =	sadd.s32 $0x0, s10  }
0x60: {  	[hbm4b:s7+s3] =	stream.linear.scatter [tilespmem:s15], [sflag:$0x9], $0x4000, $0x38;
	[tilespmem:$0x1A040] =	vst v63  }
0x61: {  	s8 =	sadd.s32 $0x0, s25;
	s7 =	simm.s32 @!p1 $0xC  }
0x62: {  	[hbm4b:s8+s3] =	stream.linear.scatter [tilespmem:s15], [sflag:$0xF], $0x4000, $0x38;
	[tilespmem:$0x1A040] =	vst v63  }
0x63: {  	_ =	swait.ge @!p1 [sflag:s7], $0x4000  }
0x64: {  	[sflag:s7] =	ssyncset.done @!p1 $0x0  }
0x65: {  	s8 =	simm.s32 @!p1 $0x12;
	[sflag:s7] =	ssyncadd.s32 @!p1 $0xFFFFC000  }
0x66: {  	_ =	swait.ge @!p1 [sflag:s8], $0x4000  }
0x67: {  	[sflag:s8] =	ssyncset.done @!p1 $0x0  }
0x68: {  	s26 =	simm.s32 $0x280;
	[sflag:s8] =	ssyncadd.s32 @!p1 $0xFFFFC000  }
0x69: {  	[tilespmem:s21], [sflag:$0x6] =	stream.indirect.gather [spmem:s2], $0x80, s26, s11, $0xb8;
	[tilespmem:$0x1A040] =	vst v63  }
0x6a: {  	_ =	swait.ge [sflag:s22], $0x4000  }
0x6b: {  	s30 =	sld [smem:$0x7FD]  }
0x6c: {  	s31 =	rddreg [dreg:$0xe];
	[sflag:s22] =	ssyncset.done $0x0  }
0x6d: {  	s10 =	sld [smem:$0x7FB];
	[sflag:s22] =	ssyncadd.s32 $0xFFFFC000;
	s8 =	sadd.s32 $0x0, s31  }
0x6e: {  	[hbm4b:s8+s3] =	stream.linear.scatter [tilespmem:s17], [sflag:$0xA], $0x4000, $0x38;
	[tilespmem:$0x1A040] =	vst v63  }
0x6f: {  	s7 =	simm.s32 @!p3 $0x18;
	s25 =	rddreg [dreg:$0xf];
	p6 =	seq.s32 s30, $0x1  }
0x70: {  	s9 =	sadd.s32 $0x0, s25;
	p4 =	seq.s32 s10, $0x1;
	s7 =	simm.s32 @p6 $0x18  }
0x71: {  	[hbm4b:s9+s3] =	stream.linear.scatter [tilespmem:s17], [sflag:$0x10], $0x4000, $0x38;
	[tilespmem:$0x1A040] =	vst v63  }
0x72: {  	s7 =	simm.s32 @p4 $0x18  }
0x73: {  	s7 =	simm.s32 @!p0 $0x19  }
0x74: {  	p1 =	sle.u32 s7, $0x6  }
0x75: {  	s8 =	simm.s32 @!p1 $0x7  }
0x76: {  	_ =	swait.ge @!p1 [sflag:s8], $0x4000  }
0x77: {  	[sflag:s8] =	ssyncset.done @!p1 $0x0  }
0x78: {  	s9 =	simm.s32 @!p1 $0xD;
	[sflag:s8] =	ssyncadd.s32 @!p1 $0xFFFFC000  }
0x79: {  	_ =	swait.ge @!p1 [sflag:s9], $0x4000  }
0x7a: {  	s10 =	simm.s32 @!p1 $0x80;
	[sflag:s9] =	ssyncset.done @!p1 $0x0  }
0x7b: {  	s8 =	simm.s32 @!p1 $0xC80;
	[sflag:s9] =	ssyncadd.s32 @!p1 $0xFFFFC000;
	s9 =	simm.s32 @!p1 $0x300  }
0x7c: {  	[tilespmem:s8], [sflag:$0x1] =	stream.indirect.gather @!p1 [spmem:s2], $0x80, s9, s10, $0xb8;
	[tilespmem:$0x1A040] =	vst v63  }
0x7d: {  	_ =	swait.ge [sflag:s23], $0x4000  }
0x7e: {  	p1 =	sle.u32 s7, $0x7;
	s26 =	rddreg [dreg:$0xc];
	[sflag:s23] =	ssyncset.done $0x0  }
0x7f: {  	s30 =	rddreg [dreg:$0xd];
	[sflag:s23] =	ssyncadd.s32 $0xFFFFC000;
	s8 =	sadd.s32 $0x0, s26  }
0x80: {  	[hbm4b:s8+s3] =	stream.linear.scatter [tilespmem:s19], [sflag:$0xB], $0x4000, $0x38;
	[tilespmem:$0x1A040] =	vst v63  }
0x81: {  	s9 =	sadd.s32 $0x0, s30;
	s8 =	simm.s32 @!p1 $0x8  }
0x82: {  	[hbm4b:s9+s3] =	stream.linear.scatter [tilespmem:s19], [sflag:$0x11], $0x4000, $0x38;
	[tilespmem:$0x1A040] =	vst v63  }
0x83: {  	_ =	swait.ge @!p1 [sflag:s8], $0x4000  }
0x84: {  	[sflag:s8] =	ssyncset.done @!p1 $0x0  }
0x85: {  	[sflag:s8] =	ssyncadd.s32 @!p1 $0xFFFFC000;
	s8 =	simm.s32 @!p1 $0xE  }
0x86: {  	p2 =	por @!p3 $0x1, $0x1;
	s25 =	simm.s32 $0xE;
	_ =	swait.ge @!p1 [sflag:s8], $0x4000  }
0x87: {  	s10 =	simm.s32 @!p1 $0x80;
	s26 =	simm.s32 $0x0;
	[sflag:s8] =	ssyncset.done @!p1 $0x0  }
0x88: {  	s9 =	simm.s32 @!p1 $0x380;
	[sflag:s8] =	ssyncadd.s32 @!p1 $0xFFFFC000;
	s8 =	simm.s32 @!p1 $0x4C80  }
0x89: {  	[tilespmem:s8], [sflag:$0x2] =	stream.indirect.gather @!p1 [spmem:s2], $0x80, s9, s10, $0xb8;
	[tilespmem:$0x1A040] =	vst v63  }
0x8a: {  	p1 =	por @!p4 $0x0, $0x0;
	s8 =	simm.s32 $0x400;
	s10 =	simm.s32 $0x700  }
0x8b: {  	p1 =	por @!p6 p2, p2;
	p6 =	por @!p5 $0x0, $0x0;
	_ =	swait.ge [sflag:s24], $0x4000  }
0x8c: {  	p6 =	por @!p4 p1, p1;
	p1 =	por @!p0 $0x0, $0x0;
	s31 =	rddreg [dreg:$0xa]  }
0x8d: {  	p4 =	sle.u32 s7, $0x8;
	[sflag:s24] =	ssyncset.done $0x0;
	s29 =	rddreg [dreg:$0xb]  }
0x8e: {  	p4 =	por p4, p4;
	[sflag:s24] =	ssyncadd.s32 $0xFFFFC000;
	s9 =	sadd.s32 $0x0, s31  }
0x8f: {  	[hbm4b:s9+s3] =	stream.linear.scatter [tilespmem:s21], [sflag:$0xC], $0x4000, $0x38;
	[tilespmem:$0x1A040] =	vst v63  }
0x90: {  	p6 =	por @!p0 p1, p1;
	s9 =	simm.s32 $0x3000;
	s28 =	simm.s32 @!p4 $0x9  }
.LBB2_2:
0x91: {  	s29 =	sadd.s32 s26, s29  }
0x92: {  	[hbm4b:s29+s3] =	stream.linear.scatter [tilespmem:s21], [sflag:$0x12], $0x4000, $0x38;
	[tilespmem:$0x1A040] =	vst v63  }
0x93: {  	_ =	swait.ge @!p4 [sflag:s28], $0x4000  }
0x94: {  	[sflag:s28] =	ssyncset.done @!p4 $0x0  }
0x95: {  	[sflag:s28] =	ssyncadd.s32 @!p4 $0xFFFFC000;
	s28 =	simm.s32 @!p4 $0xF  }
0x96: {  	_ =	swait.ge @!p4 [sflag:s28], $0x4000  }
0x97: {  	[sflag:s28] =	ssyncset.done @!p4 $0x0  }
0x98: {  	s30 =	simm.s32 @!p4 $0x8C80;
	s29 =	simm.s32 @!p4 $0x80;
	[sflag:s28] =	ssyncadd.s32 @!p4 $0xFFFFC000  }
0x99: {  	[tilespmem:s30], [sflag:$0x3] =	stream.indirect.gather @!p4 [spmem:s2], $0x80, s8, s29, $0xb8;
	[tilespmem:$0x1A040] =	vst v63  }
0x9a: {  	p2 =	sge.u32 s25, s7;
	_ =	swait.ge [sflag:s16], $0x4000  }
0x9b: {  	s26 =	smov.u32 s9;
	s28 =	rddreg [dreg:$0x10];
	[sflag:s16] =	ssyncset.done $0x0  }
0x9c: {  	s29 =	rddreg [dreg:$0x11];
	[sflag:s16] =	ssyncadd.s32 $0xFFFFC000;
	s28 =	sadd.s32 s26, s28  }
0x9d: {  	[hbm4b:s28+s3] =	stream.linear.scatter [tilespmem:s12], [sflag:$0x7], $0x4000, $0x38;
	[tilespmem:$0x1A040] =	vst v63  }
0x9e: {  	p4 =	por p2, p2;
	p2 =	seq.s32 s26, $0x0;
	s28 =	sadd.s32 s26, s29  }
0x9f: {  	[hbm4b:s28+s3] =	stream.linear.scatter [tilespmem:s12], [sflag:$0xD], $0x4000, $0x38;
	[tilespmem:$0x1A040] =	vst v63  }
0xa0: {  	s28 =	simm.s32 @!p2 $0xA  }
0xa1: {  	_ =	swait.ge @!p2 [sflag:s28], $0x4000  }
0xa2: {  	[sflag:s28] =	ssyncset.done @!p2 $0x0  }
0xa3: {  	s29 =	simm.s32 @!p2 $0x10;
	[sflag:s28] =	ssyncadd.s32 @!p2 $0xFFFFC000  }
0xa4: {  	_ =	swait.ge @!p2 [sflag:s29], $0x4000  }
0xa5: {  	[sflag:s29] =	ssyncset.done @!p2 $0x0  }
0xa6: {  	s28 =	sadd.s32 $0xFFFFFD80, s10;
	[sflag:s29] =	ssyncadd.s32 @!p2 $0xFFFFC000  }
0xa7: {  	[tilespmem:s17], [sflag:$0x4] =	stream.indirect.gather [spmem:s2], $0x80, s28, s11, $0xb8;
	[tilespmem:$0x1A040] =	vst v63  }
0xa8: {  	_ =	swait.ge [sflag:s18], $0x4000  }
0xa9: {  	s29 =	rddreg [dreg:$0x8];
	[sflag:s18] =	ssyncset.done $0x0  }
0xaa: {  	s31 =	rddreg [dreg:$0x9];
	[sflag:s18] =	ssyncadd.s32 $0xFFFFC000;
	s29 =	sadd.s32 s26, s29  }
0xab: {  	[hbm4b:s29+s3] =	stream.linear.scatter [tilespmem:s13], [sflag:$0x8], $0x4000, $0x38;
	[tilespmem:$0x1A040] =	vst v63  }
0xac: {  	s28 =	simm.s32 @!p2 $0xB;
	s29 =	sadd.s32 s26, s31  }
0xad: {  	[hbm4b:s29+s3] =	stream.linear.scatter [tilespmem:s13], [sflag:$0xE], $0x4000, $0x38;
	[tilespmem:$0x1A040] =	vst v63  }
0xae: {  	_ =	swait.ge @!p2 [sflag:s28], $0x4000  }
0xaf: {  	[sflag:s28] =	ssyncset.done @!p2 $0x0  }
0xb0: {  	s30 =	simm.s32 @!p2 $0x11;
	[sflag:s28] =	ssyncadd.s32 @!p2 $0xFFFFC000  }
0xb1: {  	_ =	swait.ge @!p2 [sflag:s30], $0x4000  }
0xb2: {  	[sflag:s30] =	ssyncset.done @!p2 $0x0  }
0xb3: {  	s31 =	sadd.s32 $0xFFFFFE00, s10;
	[sflag:s30] =	ssyncadd.s32 @!p2 $0xFFFFC000  }
0xb4: {  	[tilespmem:s19], [sflag:$0x5] =	stream.indirect.gather [spmem:s2], $0x80, s31, s11, $0xb8;
	[tilespmem:$0x1A040] =	vst v63  }
0xb5: {  	_ =	swait.ge [sflag:s20], $0x4000  }
0xb6: {  	s29 =	rddreg [dreg:$0x6];
	[sflag:s20] =	ssyncset.done $0x0  }
0xb7: {  	s31 =	rddreg [dreg:$0x7];
	[sflag:s20] =	ssyncadd.s32 $0xFFFFC000;
	s29 =	sadd.s32 s26, s29  }
0xb8: {  	[hbm4b:s29+s3] =	stream.linear.scatter [tilespmem:s15], [sflag:$0x9], $0x4000, $0x38;
	[tilespmem:$0x1A040] =	vst v63  }
0xb9: {  	s28 =	simm.s32 @!p2 $0xC;
	s29 =	sadd.s32 s26, s31  }
0xba: {  	[hbm4b:s29+s3] =	stream.linear.scatter [tilespmem:s15], [sflag:$0xF], $0x4000, $0x38;
	[tilespmem:$0x1A040] =	vst v63  }
0xbb: {  	_ =	swait.ge @!p2 [sflag:s28], $0x4000  }
0xbc: {  	[sflag:s28] =	ssyncset.done @!p2 $0x0  }
0xbd: {  	s30 =	simm.s32 @!p2 $0x12;
	[sflag:s28] =	ssyncadd.s32 @!p2 $0xFFFFC000  }
0xbe: {  	_ =	swait.ge @!p2 [sflag:s30], $0x4000  }
0xbf: {  	[sflag:s30] =	ssyncset.done @!p2 $0x0  }
0xc0: {  	s31 =	sadd.s32 $0xFFFFFE80, s10;
	[sflag:s30] =	ssyncadd.s32 @!p2 $0xFFFFC000  }
0xc1: {  	[tilespmem:s21], [sflag:$0x6] =	stream.indirect.gather [spmem:s2], $0x80, s31, s11, $0xb8;
	[tilespmem:$0x1A040] =	vst v63  }
0xc2: {  	s28 =	sadd.s32 $0xFFFFFFFE, s25;
	_ =	swait.ge [sflag:s22], $0x4000  }
0xc3: {  	p2 =	sge.u32 s28, s7;
	s29 =	rddreg [dreg:$0xe];
	[sflag:s22] =	ssyncset.done $0x0  }
0xc4: {  	s30 =	rddreg [dreg:$0xf];
	[sflag:s22] =	ssyncadd.s32 $0xFFFFC000;
	s29 =	sadd.s32 s26, s29  }
0xc5: {  	[hbm4b:s29+s3] =	stream.linear.scatter [tilespmem:s17], [sflag:$0xA], $0x4000, $0x38;
	[tilespmem:$0x1A040] =	vst v63  }
0xc6: {  	s28 =	simm.s32 @!p2 $0x7;
	s29 =	sadd.s32 s26, s30  }
0xc7: {  	[hbm4b:s29+s3] =	stream.linear.scatter [tilespmem:s17], [sflag:$0x10], $0x4000, $0x38;
	[tilespmem:$0x1A040] =	vst v63  }
0xc8: {  	_ =	swait.ge @!p2 [sflag:s28], $0x4000  }
0xc9: {  	[sflag:s28] =	ssyncset.done @!p2 $0x0  }
0xca: {  	s31 =	simm.s32 @!p2 $0xD;
	[sflag:s28] =	ssyncadd.s32 @!p2 $0xFFFFC000  }
0xcb: {  	_ =	swait.ge @!p2 [sflag:s31], $0x4000  }
0xcc: {  	s30 =	simm.s32 @!p2 $0xC80;
	[sflag:s31] =	ssyncset.done @!p2 $0x0  }
0xcd: {  	s29 =	sadd.s32 @!p2 $0xFFFFFF00, s10;
	[sflag:s31] =	ssyncadd.s32 @!p2 $0xFFFFC000;
	s31 =	simm.s32 @!p2 $0x80  }
0xce: {  	[tilespmem:s30], [sflag:$0x1] =	stream.indirect.gather @!p2 [spmem:s2], $0x80, s29, s31, $0xb8;
	[tilespmem:$0x1A040] =	vst v63  }
0xcf: {  	s28 =	sadd.s32 $0xFFFFFFFF, s25;
	_ =	swait.ge [sflag:s23], $0x4000  }
0xd0: {  	p2 =	sge.u32 s28, s7;
	s28 =	rddreg [dreg:$0xc];
	[sflag:s23] =	ssyncset.done $0x0  }
0xd1: {  	s31 =	rddreg [dreg:$0xd];
	[sflag:s23] =	ssyncadd.s32 $0xFFFFC000;
	s28 =	sadd.s32 s26, s28  }
0xd2: {  	[hbm4b:s28+s3] =	stream.linear.scatter [tilespmem:s19], [sflag:$0xB], $0x4000, $0x38;
	[tilespmem:$0x1A040] =	vst v63  }
0xd3: {  	s29 =	simm.s32 @!p2 $0x8;
	s28 =	sadd.s32 s26, s31  }
0xd4: {  	[hbm4b:s28+s3] =	stream.linear.scatter [tilespmem:s19], [sflag:$0x11], $0x4000, $0x38;
	[tilespmem:$0x1A040] =	vst v63  }
0xd5: {  	_ =	swait.ge @!p2 [sflag:s29], $0x4000  }
0xd6: {  	[sflag:s29] =	ssyncset.done @!p2 $0x0  }
0xd7: {  	[sflag:s29] =	ssyncadd.s32 @!p2 $0xFFFFC000;
	s29 =	simm.s32 @!p2 $0xE  }
0xd8: {  	s9 =	sadd.s32 $0x3000, s9;
	_ =	swait.ge @!p2 [sflag:s29], $0x4000  }
0xd9: {  	p1 =	sne.s32 s9, $0xC000;
	s30 =	simm.s32 @!p2 $0x80;
	[sflag:s29] =	ssyncset.done @!p2 $0x0  }
0xda: {  	s28 =	sadd.s32 @!p2 $0xFFFFFF80, s10;
	[sflag:s29] =	ssyncadd.s32 @!p2 $0xFFFFC000;
	s29 =	simm.s32 @!p2 $0x4C80  }
0xdb: {  	[tilespmem:s29], [sflag:$0x2] =	stream.indirect.gather @!p2 [spmem:s2], $0x80, s28, s30, $0xb8;
	[tilespmem:$0x1A040] =	vst v63  }
.Ltmp0:
0xdc: {  	s8 =	smov.u32 s10;
	(pc) =	sbr.rel @p1 .LBB2_2-.Ltmp0, $4  }
0xdd: {  	s25 =	sadd.s32 $0x6, s25;
	s10 =	sadd.s32 $0x300, s10;
	_ =	swait.ge [sflag:s24], $0x4000  }
0xde: {  	s28 =	simm.s32 @!p4 $0x9;
	s31 =	rddreg [dreg:$0xa];
	[sflag:s24] =	ssyncset.done $0x0  }
0xdf: {  	s29 =	rddreg [dreg:$0xb];
	[sflag:s24] =	ssyncadd.s32 $0xFFFFC000;
	s30 =	sadd.s32 s26, s31  }
0xe0: {  	[hbm4b:s30+s3] =	stream.linear.scatter [tilespmem:s21], [sflag:$0xC], $0x4000, $0x38;
	[tilespmem:$0x1A040] =	vst v63  }
0xe1: {  	s7 =	sadd.s32 s26, s29  }
0xe2: {  	[hbm4b:s7+s3] =	stream.linear.scatter [tilespmem:s21], [sflag:$0x12], $0x4000, $0x38;
	[tilespmem:$0x1A040] =	vst v63  }
0xe3: {  	_ =	swait.ge @!p4 [sflag:s28], $0x4000  }
0xe4: {  	[sflag:s28] =	ssyncset.done @!p4 $0x0  }
0xe5: {  	s7 =	simm.s32 @!p4 $0xF;
	[sflag:s28] =	ssyncadd.s32 @!p4 $0xFFFFC000  }
0xe6: {  	_ =	swait.ge @!p4 [sflag:s7], $0x4000  }
0xe7: {  	s9 =	simm.s32 @!p4 $0x80;
	[sflag:s7] =	ssyncset.done @!p4 $0x0  }
0xe8: {  	s10 =	simm.s32 @!p4 $0x8C80;
	[sflag:s7] =	ssyncadd.s32 @!p4 $0xFFFFC000;
	s7 =	simm.s32 @p0 $0x7  }
0xe9: {  	[tilespmem:s10], [sflag:$0x3] =	stream.indirect.gather @!p4 [spmem:s2], $0x80, s8, s9, $0xb8;
	[tilespmem:$0x1A040] =	vst v63  }
0xea: {  	_ =	swait.ge @p0 [sflag:s7], $0x4000  }
0xeb: {  	[sflag:s7] =	ssyncset.done @p0 $0x0  }
0xec: {  	[sflag:s7] =	ssyncadd.s32 @p0 $0xFFFFC000;
	s7 =	simm.s32 @!p0 $0x1  }
0xed: {  	_ =	swait.ge @!p0 [sflag:s7], $0x4000  }
0xee: {  	s8 =	simm.s32 @!p0 $0xC80;
	[sflag:s7] =	ssyncset.done @!p0 $0x0  }
0xef: {  	s9 =	rddreg [dreg:$0x13];
	[sflag:s7] =	ssyncadd.s32 @!p0 $0xFFFFC000;
	s7 =	simm.s32 @!p0 $0x0  }
0xf0: {  	[hbm4b:s9+s7] =	stream.linear.scatter @!p0 [tilespmem:s8], [sflag:$0x13], $0x4000, $0x38;
	[tilespmem:$0x1A040] =	vst v63  }
0xf1: {  	s9 =	simm.s32 @!p0 $0x13  }
0xf2: {  	_ =	swait.ge @!p0 [sflag:s9], $0x4000  }
0xf3: {  	[sflag:s9] =	ssyncset.done @!p0 $0x0  }
0xf4: {  	s10 =	rddreg [dreg:$0x14];
	[sflag:s9] =	ssyncadd.s32 @!p0 $0xFFFFC000;
	s9 =	simm.s32 @p0 $0xD  }
0xf5: {  	[hbm4b:s10+s7] =	stream.linear.scatter @!p0 [tilespmem:s8], [sflag:$0x13], $0x4000, $0x38;
	[tilespmem:$0x1A040] =	vst v63  }
0xf6: {  	_ =	swait.ge [sflag:s9], $0x4000  }
0xf7: {  	[sflag:s9] =	ssyncset.done $0x0  }
0xf8: {  	s10 =	simm.s32 $0x8;
	[sflag:s9] =	ssyncadd.s32 $0xFFFFC000  }
0xf9: {  	_ =	swait.ge [sflag:s10], $0x4000  }
0xfa: {  	[sflag:s10] =	ssyncset.done $0x0  }
0xfb: {  	s25 =	simm.s32 $0xE;
	[sflag:s10] =	ssyncadd.s32 $0xFFFFC000  }
0xfc: {  	_ =	swait.ge [sflag:s25], $0x4000  }
0xfd: {  	[sflag:s25] =	ssyncset.done $0x0  }
0xfe: {  	s26 =	simm.s32 $0x9;
	[sflag:s25] =	ssyncadd.s32 $0xFFFFC000  }
0xff: {  	_ =	swait.ge [sflag:s26], $0x4000  }
0x100: {  	[sflag:s26] =	ssyncset.done $0x0  }
0x101: {  	s28 =	simm.s32 $0xF;
	[sflag:s26] =	ssyncadd.s32 $0xFFFFC000  }
0x102: {  	_ =	swait.ge [sflag:s28], $0x4000  }
0x103: {  	[sflag:s28] =	ssyncset.done $0x0  }
0x104: {  	s29 =	simm.s32 $0xA;
	[sflag:s28] =	ssyncadd.s32 $0xFFFFC000  }
0x105: {  	_ =	swait.ge [sflag:s29], $0x4000  }
0x106: {  	[sflag:s29] =	ssyncset.done $0x0  }
0x107: {  	s30 =	simm.s32 $0x10;
	[sflag:s29] =	ssyncadd.s32 $0xFFFFC000  }
0x108: {  	_ =	swait.ge [sflag:s30], $0x4000  }
0x109: {  	[sflag:s30] =	ssyncset.done $0x0  }
0x10a: {  	[sflag:s30] =	ssyncadd.s32 $0xFFFFC000  }
0x10b: {  	_ =	swait.ge [sflag:s1], $0x4000  }
0x10c: {  	[sflag:s1] =	ssyncset.done $0x0  }
0x10d: {  	[sflag:s1] =	ssyncadd.s32 $0xFFFFC000  }
0x10e: {  	_ =	swait.ge [sflag:s0], $0x4000  }
0x10f: {  	[sflag:s0] =	ssyncset.done $0x0  }
0x110: {  	[sflag:s0] =	ssyncadd.s32 $0xFFFFC000  }
0x111: {  	_ =	swait.ge [sflag:s14], $0x4000  }
0x112: {  	[sflag:s14] =	ssyncset.done $0x0  }
0x113: {  	[sflag:s14] =	ssyncadd.s32 $0xFFFFC000  }
0x114: {  	_ =	swait.ge [sflag:s5], $0x4000  }
0x115: {  	s7 =	simm.s32 @p6 $0x20;
	[sflag:s5] =	ssyncset.done $0x0  }
0x116: {  	s8 =	simm.s32 @p6 $0xC00;
	s9 =	simm.s32 @p6 $0x18C80;
	[sflag:s5] =	ssyncadd.s32 $0xFFFFC000  }
0x117: {  	[tilespmem:s9], [sflag:$0x1] =	stream.indirect.gather @p6 [spmem:s2], $0x80, s8, s7, $0xb8;
	[tilespmem:$0x1A040] =	vst v63  }
0x118: {  	s7 =	simm.s32 @p6 $0x1  }
0x119: {  	_ =	swait.ge @p6 [sflag:s7], $0x1000  }
0x11a: {  	[sflag:s7] =	ssyncset.done @p6 $0x0  }
0x11b: {  	s8 =	rddreg [dreg:$0x15];
	[sflag:s7] =	ssyncadd.s32 @p6 $0xFFFFF000;
	s7 =	simm.s32 @p6 $0x0  }
0x11c: {  	[hbm4b:s8+s7] =	stream.linear.scatter @p6 [tilespmem:s9], [sflag:$0x13], $0x1000, $0x38;
	[tilespmem:$0x1A040] =	vst v63  }
0x11d: {  	s8 =	simm.s32 @p6 $0x13  }
0x11e: {  	_ =	swait.ge @p6 [sflag:s8], $0x1000  }
0x11f: {  	[sflag:s8] =	ssyncset.done @p6 $0x0  }
0x120: {  	s10 =	rddreg [dreg:$0x16];
	[sflag:s8] =	ssyncadd.s32 @p6 $0xFFFFF000  }
0x121: {  	[hbm4b:s10+s7] =	stream.linear.scatter @p6 [tilespmem:s9], [sflag:$0x13], $0x1000, $0x38;
	[tilespmem:$0x1A040] =	vst v63  }
0x122: {  	_ =	swait.ge @p6 [sflag:s8], $0x1000  }
0x123: {  	s6 =	sadd.s32 $0x1, s6;
	s31 =	rddreg [dreg:$0x17]  }
0x124: {  	p1 =	sne.s32 s6, s31  }
.Ltmp1:
0x125: {  	_ = 	snop;
	(pc) =	sbr.rel @p1 .LBB2_1-.Ltmp1, $3  }
0x126: {  	_ =	sdelay $0x1  }
0x127: {  	[sflag:s8] =	ssyncset.done @p6 $0x0  }
0x128: {  	[sflag:s8] =	ssyncadd.s32 @p6 $0xFFFFF000  }
0x129: {  	_ =	sfence.sel $0x180000  }
0x12a: {  	[bflag:$0x0] =	sbarrier.arrive $0xFFFF  }
0x12b: {  	_ =	strace $0x90000047  }
0x12c: {  	[bflag:$0x2] =	sbarrier.arrive $0xFFFF  }
0x12d: {  	s1 =	sld [smem:$0x7FC];
	_ =	sdelay $0x2  }
0x12e: {  	s0 =	rddreg [dreg:$0x5];
	p0 =	seq.s32 s1, $0x1  }
0x12f: {  	s0 =	sadd.s32 @!p0 $0x100000, s0  }
0x130: {  	[sflag:s0] =	ssyncadd.tile.s32 @!p0 $0x1;
	_ =	shalt  }
.Lfunc_end2:
_tile_overlayer_lowered:
.L_overlay_start_2:
0x131: {  	(tag) =	ssettag $0x2  }
0x132: {  	s0 =	rddreg [dreg:$0x0];
	s2 =	stileid.u32  }
0x133: {  	s1 =	rddreg [dreg:$0x1];
	p0 =	sne.s32 s2, $0x0  }
0x134: {  	s3 =	rddreg [dreg:$0x2];
	[bflag:$0x3] =	sbarrier.arrive $0xFFFF;
	s2 =	simm.s32 @!p0 $0x1C13  }
0x135: {  	[timem:s3], [sflag:s2] =	dma.local @!p0 [hbm:s0], s1  }
0x136: {  	s0 =	simm.s32 @!p0 $0x13  }
0x137: {  	_ =	swait.ge @!p0 [sflag:s0], s1  }
0x138: {  	s1 =	ssub.s32 @!p0 $0x0, s1;
	[sflag:s0] =	ssyncset.done @!p0 $0x0  }
0x139: {  	[sflag:s0] =	ssyncadd.s32 @!p0 s1  }
0x13a: {  	[bflag:$0x3] =	sbarrier.arrive $0xFFFF  }
0x13b: {  	_ =	shalt  }

</sc_bundles>
